<compile_context>
chip_gen: v7x
topology: tpu7x:2x2x1
jax: 0.10.2.dev20260603
libtpu: 0.0.44.dev20260713+nightly
codegen_flags: <defaults>
</compile_context>

<pallas_src>
import jax
import jax.numpy as jnp
from jax import lax
from jax.experimental import pallas as pl
from jax.experimental.pallas import tpu as pltpu
from jax.experimental.pallas import tpu_sc as plsc

N = 10000
D = 128
E = 320000
H = 32

NC = 2
NS = 16
NW = NC * NS

NP = 10240
CH = 128
CROWS = E // CH
RB = CROWS // NW
REXTRA = CROWS - RB * NW
RMAX = RB + 1
ROWS_PER_TILE = NP // NS


def _sc_mesh():
    return plsc.VectorSubcoreMesh(core_axis_name="c", subcore_axis_name="s")


CR = 6
CE = CR * CH
NCHK = RB // CR
PW = RB * CH


def _worker_rows(wid):
    base_row = wid * RB + jnp.minimum(wid, REXTRA)
    nrows = jnp.where(wid < REXTRA, RB + 1, RB)
    return base_row, nrows


def _preload_flat(e_flat, plane, base_e, dst_v):
    pltpu.sync_copy(e_flat.at[plane, pl.ds(base_e, PW)], dst_v.at[pl.ds(0, PW)])


def _preload_chunks(e_flat, plane, base_e, dst_v, wid, sem):
    for c in range(NCHK):
        pltpu.async_copy(e_flat.at[plane, pl.ds(base_e + c * CE, CE)],
                         dst_v.at[c], sem)
    for c in range(NCHK):
        pltpu.make_async_copy(e_flat.at[plane, pl.ds(base_e + c * CE, CE)],
                              dst_v.at[c], sem).wait()


def _preload_extra_flat(e_flat, plane, base_e, dst_v, off, wid):
    @pl.when(wid < REXTRA)
    def _():
        pltpu.sync_copy(e_flat.at[plane, pl.ds(base_e + PW, CH)],
                        dst_v.at[pl.ds(off, CH)])


def _deg_body(e_flat, degb_hbm, didx, ones_v, zv, deg_v, degb_v, deg_sh, sem):
    cid = lax.axis_index("c")
    sid = lax.axis_index("s")
    wid = cid * NS + sid
    base_row, nrows = _worker_rows(wid)
    base_e = base_row * CH

    _preload_chunks(e_flat, 1, base_e, didx, wid, sem)

    @pl.when(wid < REXTRA)
    def _():
        pltpu.sync_copy(e_flat.at[1, pl.ds(base_e + PW, CH)],
                        didx.at[NCHK, pl.ds(0, CH)])

    for k in range(CE // 16):
        ones_v[pl.ds(16 * k, 16)] = jnp.full((16,), 1.0, jnp.float32)
    for k in range(CH // 16):
        zv[pl.ds(16 * k, 16)] = jnp.zeros((16,), jnp.float32)
    for i in range(ROWS_PER_TILE // CH):
        pltpu.sync_copy(zv, deg_sh.at[pl.ds(sid * ROWS_PER_TILE + i * CH, CH)])
    plsc.subcore_barrier()

    for c in range(NCHK):
        pltpu.async_copy(ones_v, deg_sh.at[didx.at[c]], sem, add=True)
    for c in range(NCHK):
        pltpu.make_async_copy(ones_v, deg_sh.at[didx.at[c]], sem).wait()

    @pl.when(nrows == RMAX)
    def _():
        pltpu.sync_copy(ones_v.at[pl.ds(0, CH)],
                        deg_sh.at[didx.at[NCHK, pl.ds(0, CH)]], add=True)

    plsc.subcore_barrier()
    pltpu.sync_copy(
        deg_sh.at[pl.ds(sid * ROWS_PER_TILE, ROWS_PER_TILE)], deg_v
    )

    def brow(r, carry):
        row = plsc.load_gather(deg_v, [jnp.full((16,), r, jnp.int32)])
        for k in range(H // 16):
            degb_v[r, pl.ds(16 * k, 16)] = row
        return carry

    lax.fori_loop(0, ROWS_PER_TILE, brow, 0)
    pltpu.sync_copy(
        degb_v, degb_hbm.at[cid, pl.ds(sid * ROWS_PER_TILE, ROWS_PER_TILE)]
    )


@jax.jit
def _sc_deg(e_flat):
    return pl.kernel(
        _deg_body,
        out_type=jax.ShapeDtypeStruct((NC, NP, H), jnp.float32),
        mesh=_sc_mesh(),
        compiler_params=pltpu.CompilerParams(
            use_tc_tiling_on_sc=False, needs_layout_passes=False),
        scratch_types=[
            pltpu.VMEM((NCHK + 1, CE), jnp.int32),
            pltpu.VMEM((CE,), jnp.float32),
            pltpu.VMEM((CH,), jnp.float32),
            pltpu.VMEM((ROWS_PER_TILE,), jnp.float32),
            pltpu.VMEM((ROWS_PER_TILE, H), jnp.float32),
            pltpu.VMEM_SHARED((NP,), jnp.float32),
            pltpu.SemaphoreType.DMA,
        ],
    )(e_flat)


def _msg_body(e_flat, h_hbm, acc_hbm, sidx, didx, rows_v, acc_sh,
              sem_p, sem_g, sem_s):
    cid = lax.axis_index("c")
    sid = lax.axis_index("s")
    wid = cid * NS + sid
    base_row, nrows = _worker_rows(wid)
    base_e = base_row * CH

    _preload_flat(e_flat, 0, base_e, sidx)
    _preload_chunks(e_flat, 1, base_e, didx, wid, sem_p)
    _preload_extra_flat(e_flat, 0, base_e, sidx, PW, wid)

    @pl.when(wid < REXTRA)
    def _():
        pltpu.sync_copy(e_flat.at[1, pl.ds(base_e + PW, CH)],
                        didx.at[NCHK, pl.ds(0, CH)])

    def zrow(i, carry):
        rows_v[0, i, pl.ds(0, 16)] = jnp.zeros((16,), jnp.float32)
        rows_v[0, i, pl.ds(16, 16)] = jnp.zeros((16,), jnp.float32)
        return carry

    lax.fori_loop(0, CH, zrow, 0)
    for i in range(ROWS_PER_TILE // CH):
        pltpu.sync_copy(
            rows_v.at[0, pl.ds(0, CH)],
            acc_sh.at[pl.ds(sid * ROWS_PER_TILE + i * CH, CH)],
        )
    plsc.subcore_barrier()

    def g_start(c, b):
        pltpu.async_copy(h_hbm.at[sidx.at[pl.ds(c * CE, CE)]],
                         rows_v.at[b], sem_g.at[b])

    def g_wait(c, b):
        pltpu.make_async_copy(h_hbm.at[sidx.at[pl.ds(c * CE, CE)]],
                              rows_v.at[b], sem_g.at[b]).wait()

    def s_start(c, b):
        pltpu.async_copy(rows_v.at[b], acc_sh.at[didx.at[c]],
                         sem_s.at[b], add=True)

    def s_wait(c, b):
        pltpu.make_async_copy(rows_v.at[b], acc_sh.at[didx.at[c]],
                              sem_s.at[b]).wait()

    g_start(0, 0)
    for c in range(NCHK):
        b = c % 2
        bn = (c + 1) % 2
        if c >= 1:
            s_wait(c - 1, bn)
        if c + 1 < NCHK:
            g_start(c + 1, bn)
        g_wait(c, b)
        s_start(c, b)
    s_wait(NCHK - 1, (NCHK - 1) % 2)

    @pl.when(nrows == RMAX)
    def _():
        pltpu.sync_copy(h_hbm.at[sidx.at[pl.ds(PW, CH)]],
                        rows_v.at[0, pl.ds(0, CH)])
        pltpu.sync_copy(rows_v.at[0, pl.ds(0, CH)],
                        acc_sh.at[didx.at[NCHK, pl.ds(0, CH)]], add=True)

    plsc.subcore_barrier()
    pltpu.sync_copy(
        acc_sh.at[pl.ds(sid * ROWS_PER_TILE, ROWS_PER_TILE)],
        acc_hbm.at[cid, pl.ds(sid * ROWS_PER_TILE, ROWS_PER_TILE)],
    )


@jax.jit
def _sc_msg(e_flat, h):
    return pl.kernel(
        _msg_body,
        out_type=jax.ShapeDtypeStruct((NC, NP, H), jnp.float32),
        mesh=_sc_mesh(),
        compiler_params=pltpu.CompilerParams(use_tc_tiling_on_sc=False),
        scratch_types=[
            pltpu.VMEM((PW + CH,), jnp.int32),
            pltpu.VMEM((NCHK + 1, CE), jnp.int32),
            pltpu.VMEM((2, CE, H), jnp.float32),
            pltpu.VMEM_SHARED((NP, H), jnp.float32),
            pltpu.SemaphoreType.DMA,
            pltpu.SemaphoreType.DMA((2,)),
            pltpu.SemaphoreType.DMA((2,)),
        ],
    )(e_flat, h)


VR = NP // 4
VRN = N // 4


def _blockdiag(w):
    t1 = jnp.concatenate([w, w, w, w], axis=0)
    t2 = jnp.concatenate([t1, t1, t1, t1], axis=1)
    ri = lax.broadcasted_iota(jnp.int32, (4 * H, 4 * H), 0)
    ci = lax.broadcasted_iota(jnp.int32, (4 * H, 4 * H), 1)
    return jnp.where((ri // H) == (ci // H), t2, 0.0)


def _tile4(b):
    return jnp.concatenate([b, b, b, b], axis=0)


def _tca_body(degb_ref, xv_ref, w1_ref, dinvbv_ref, h1sv_ref):
    dinvbv = lax.rsqrt(degb_ref[0] + degb_ref[1] + 1.0)
    t1 = jnp.concatenate([w1_ref[...]] * 4, axis=0)
    t2 = jnp.concatenate([t1] * 4, axis=1)
    ri = lax.broadcasted_iota(jnp.int32, (4 * H, 4 * D), 0)
    ci = lax.broadcasted_iota(jnp.int32, (4 * H, 4 * D), 1)
    w1bd = jnp.where((ri // H) == (ci // D), t2, 0.0)
    g1v = lax.dot_general(
        xv_ref[...], w1bd,
        dimension_numbers=(((1,), (1,)), ((), ())),
        preferred_element_type=jnp.float32,
    )
    g1vf = jnp.concatenate(
        [g1v, jnp.zeros((VR - VRN, 4 * H), jnp.float32)], axis=0)
    dinvbv_ref[...] = dinvbv
    h1sv_ref[...] = g1vf * dinvbv


@jax.jit
def _tc_a(degb, xv, w1):
    return pl.pallas_call(
        _tca_body,
        out_shape=(
            jax.ShapeDtypeStruct((VR, 4 * H), jnp.float32),
            jax.ShapeDtypeStruct((VR, 4 * H), jnp.float32),
        ),
    )(degb, xv, w1)


def _tcb_body(acc_ref, h1s_ref, dinvb_ref, b1_ref, w2_ref, h2s_ref):
    dinvb = dinvb_ref[...]
    pre = (dinvb * (acc_ref[0] + acc_ref[1] + h1s_ref[...])
           + _tile4(b1_ref[...])[None, :])
    act = jnp.tanh(pre)
    g2 = lax.dot_general(
        act, _blockdiag(w2_ref[...]),
        dimension_numbers=(((1,), (1,)), ((), ())),
        preferred_element_type=jnp.float32,
    )
    h2s_ref[...] = g2 * dinvb


@jax.jit
def _tc_b(acc, h1s, dinvb, b1, w2):
    return pl.pallas_call(
        _tcb_body,
        out_shape=jax.ShapeDtypeStruct((VR, 4 * H), jnp.float32),
    )(acc, h1s, dinvb, b1, w2)


def _tcc_body(acc_ref, h2s_ref, dinvb_ref, b2_ref, lw1_ref, lb1_ref,
              lw2_ref, lb2_ref, out_ref):
    pre = (dinvb_ref[...] * (acc_ref[0] + acc_ref[1] + h2s_ref[...])
           + _tile4(b2_ref[...])[None, :])
    act = jnp.tanh(pre)
    g3 = lax.dot_general(
        act, _blockdiag(lw1_ref[...]),
        dimension_numbers=(((1,), (1,)), ((), ())),
        preferred_element_type=jnp.float32,
    )
    h3 = jnp.tanh(g3 + _tile4(lb1_ref[...])[None, :])
    vr = lax.broadcasted_iota(jnp.int32, (VR, 4 * H), 0)
    h3 = jnp.where(vr < VRN, h3, 0.0)
    pooled = jnp.sum(h3, axis=0, keepdims=True)
    lw2t = jnp.concatenate([lw2_ref[...]] * 4, axis=1)
    out_ref[...] = (
        jnp.sum(pooled * lw2t, axis=1, keepdims=True) + lb2_ref[...][None, :]
    )


@jax.jit
def _tc_c(acc, h2s, dinvb, b2, lw1, lb1, lw2, lb2):
    return pl.pallas_call(
        _tcc_body,
        out_shape=jax.ShapeDtypeStruct((1, 1), jnp.float32),
    )(acc, h2s, dinvb, b2, lw1, lb1, lw2, lb2)


def kernel(x, edge_index, W1, b1, W2, b2, LW1, Lb1, LW2, Lb2):
    e_flat = edge_index.astype(jnp.int32)

    degb = _sc_deg(e_flat)
    xv = x.reshape(VRN, 4 * D)
    dinvbv, h1sv = _tc_a(degb.reshape(NC, VR, 4 * H), xv, W1)
    acc1 = _sc_msg(e_flat, h1sv.reshape(NP, H))
    h2sv = _tc_b(acc1.reshape(NC, VR, 4 * H), h1sv, dinvbv, b1, W2)
    acc2 = _sc_msg(e_flat, h2sv.reshape(NP, H))
    out = _tc_c(acc2.reshape(NC, VR, 4 * H), h2sv, dinvbv, b2, LW1, Lb1,
                LW2, Lb2)
    return out.reshape(1)

# --- scband reference (transcript-rebuilt; emitter-appended) ---
"""Pipeline reference for scband-gnet-10213432230367 (READ-ONLY COPY).

The authoritative reference and input builder live on the scoring server;
editing this copy changes nothing except your own understanding.
"""

import jax, jax.numpy as jnp
import numpy as np

N = 10000
D = 128
E = 320000
H = 32


def _gcn_conv(x, edge_index, W, b):
    n = x.shape[0]
    loop = jnp.arange(n, dtype=edge_index.dtype)
    src = jnp.concatenate([edge_index[0], loop])
    dst = jnp.concatenate([edge_index[1], loop])
    deg = jnp.zeros((n,), x.dtype).at[dst].add(1.0)
    dinv = jnp.where(deg > 0, jax.lax.rsqrt(deg), 0.0)
    norm = dinv[src] * dinv[dst]
    h = x @ W.T
    msg = h[src] * norm[:, None]
    out = jnp.zeros((n, W.shape[0]), x.dtype).at[dst].add(msg)
    return out + b


def setup_inputs(seed: int = 0) -> dict:
    key = jax.random.key(seed)
    ks = jax.random.split(key, 12)
    x = jax.random.normal(ks[0], (N, D), dtype=jnp.float32)
    edge_index = jax.random.randint(ks[1], (2, E), 0, N)
    # GCNConv 1: weight [H, D], bias [H]
    W1 = jax.random.normal(ks[2], (H, D), dtype=jnp.float32) * (1.0 / np.sqrt(D))
    b1 = jnp.zeros((H,), dtype=jnp.float32)
    # GCNConv 2: weight [H, H], bias [H]
    W2 = jax.random.normal(ks[3], (H, H), dtype=jnp.float32) * (1.0 / np.sqrt(H))
    b2 = jnp.zeros((H,), dtype=jnp.float32)
    # Linear(H, H)
    LW1 = jax.random.normal(ks[4], (H, H), dtype=jnp.float32) * (1.0 / np.sqrt(H))
    Lb1 = jnp.zeros((H,), dtype=jnp.float32)
    # Linear(H, 1)
    LW2 = jax.random.normal(ks[5], (1, H), dtype=jnp.float32) * (1.0 / np.sqrt(H))
    Lb2 = jnp.zeros((1,), dtype=jnp.float32)
    return {"x": x, "edge_index": edge_index, "W1": W1, "b1": b1, "W2": W2, "b2": b2, "LW1": LW1, "Lb1": Lb1, "LW2": LW2, "Lb2": Lb2}


def reference(x, edge_index, W1, b1, W2, b2, LW1, Lb1, LW2, Lb2):
    # GNet.get_value: value_net(x, edge_index, batch=zeros).squeeze(-2)
    h = jnp.tanh(_gcn_conv(x, edge_index, W1, b1))
    h = jnp.tanh(_gcn_conv(h, edge_index, W2, b2))
    h = jnp.tanh(h @ LW1.T + Lb1)
    # global_add_pool with batch = all zeros -> sum over all nodes -> [1, H]
    pooled = jnp.sum(h, axis=0, keepdims=True)
    out = pooled @ LW2.T + Lb2  # [1, 1]
    return jnp.squeeze(out, axis=-2)  # [1]

if __name__ == "__main__":
    import jax
    _d = setup_inputs()
    print(jax.jit(kernel)(*tuple(_d.values())))

</pallas_src>

<mosaic_0001>
#map = affine_map<(d0, d1) -> (0, 0)>
#map1 = affine_map<(d0, d1) -> (0, 0, 0)>
module attributes {stable_mosaic.version = 14 : i64} {
  func.func @_deg_body(%arg0: i32, %arg1: i32, %arg2: memref<2x320000xi32, #tpu.memory_space<hbm>>, %arg3: memref<2x10240x32xf32, #tpu.memory_space<hbm>>, %arg4: memref<14x768xi32, #tpu.memory_space<vmem>>, %arg5: memref<768xf32, #tpu.memory_space<vmem>>, %arg6: memref<128xf32, #tpu.memory_space<vmem>>, %arg7: memref<640xf32, #tpu.memory_space<vmem>>, %arg8: memref<640x32xf32, #tpu.memory_space<vmem>>, %arg9: memref<10240xf32, #tpu.memory_space<vmem_shared>>, %arg10: memref<!tpu.dma_semaphore, #tpu.memory_space<semaphore_mem>>) attributes {dimension_semantics = [#tpu.dimension_semantics<core_parallel>, #tpu.dimension_semantics<subcore_parallel>], iteration_bounds = array<i64: 2, 16>, scalar_prefetch = 0 : i64, scratch_operands = 7 : i64, tpu.core_type = #tpu.core_type<sc_vector_subcore>, window_params = [{transform_indices = #map}, {transform_indices = #map1}]} {
    %mul3A = arith.constant 16 : i32
    %mul3A_0 = arith.muli %arg0, %mul3A : i32
    %add3A = arith.addi %mul3A_0, %arg1 : i32
    %mul3A_1 = arith.constant 78 : i32
    %mul3A_2 = arith.muli %add3A, %mul3A_1 : i32
    %min3A = arith.constant 4 : i32
    %min3A_3 = arith.minsi %add3A, %min3A : i32
    %add3A_4 = arith.addi %mul3A_2, %min3A_3 : i32
    %lt3A = arith.constant 4 : i32
    %lt3A_5 = arith.cmpi slt, %add3A, %lt3A : i32
    %jit3A = arith.constant 79 : i32
    %jit3A_6 = arith.constant 78 : i32
    %select_n3A = arith.select %lt3A_5, %jit3A, %jit3A_6 : i32
    %mul3A_7 = arith.constant 128 : i32
    %mul3A_8 = arith.muli %add3A_4, %mul3A_7 : i32
    %add3A_9 = arith.constant 0 : i32
    %add3A_10 = arith.addi %mul3A_8, %add3A_9 : i32
    %dma_start3A = arith.constant 1 : i32
    %dma_start3A_11 = arith.constant 0 : i32
    %dma_start3A_12 = arith.constant 0 : i32
    %dma_start3A_13 = tpu.memref_slice %arg4[%dma_start3A_11, %dma_start3A_12] : memref<14x768xi32, #tpu.memory_space<vmem>> -> memref<1x768xi32, #tpu.memory_space<vmem>>
    %dma_start3A_14 = tpu.memref_squeeze %dma_start3A_13 : memref<1x768xi32, #tpu.memory_space<vmem>> -> memref<768xi32, #tpu.memory_space<vmem>>
    %dma_start3A_15 = tpu.memref_slice %arg2[%dma_start3A, %add3A_10] : memref<2x320000xi32, #tpu.memory_space<hbm>> -> memref<1x768xi32, #tpu.memory_space<hbm>>
    %dma_start3A_16 = tpu.memref_squeeze %dma_start3A_15 : memref<1x768xi32, #tpu.memory_space<hbm>> -> memref<768xi32, #tpu.memory_space<hbm>>
    %dma_start3A_17 = arith.constant 0 : i32
    %dma_start3A_18 = tpu.memref_slice %arg4[%dma_start3A_11, %dma_start3A_17] : memref<14x768xi32, #tpu.memory_space<vmem>> -> memref<1x768xi32, #tpu.memory_space<vmem>>
    %dma_start3A_19 = tpu.memref_squeeze %dma_start3A_18 : memref<1x768xi32, #tpu.memory_space<vmem>> -> memref<768xi32, #tpu.memory_space<vmem>>
    %dma_start3A_20 = tpu.memref_slice %arg2[%dma_start3A, %add3A_10] : memref<2x320000xi32, #tpu.memory_space<hbm>> -> memref<1x768xi32, #tpu.memory_space<hbm>>
    %dma_start3A_21 = tpu.memref_squeeze %dma_start3A_20 : memref<1x768xi32, #tpu.memory_space<hbm>> -> memref<768xi32, #tpu.memory_space<hbm>>
    tpu.enqueue_dma source(%dma_start3A_21 : memref<768xi32, #tpu.memory_space<hbm>>) target(%dma_start3A_19 : memref<768xi32, #tpu.memory_space<vmem>>) target_semaphore(%arg10 : memref<!tpu.dma_semaphore, #tpu.memory_space<semaphore_mem>>)
    %add3A_22 = arith.constant 768 : i32
    %add3A_23 = arith.addi %mul3A_8, %add3A_22 : i32
    %dma_start3A_24 = arith.constant 1 : i32
    %dma_start3A_25 = arith.constant 1 : i32
    %dma_start3A_26 = arith.constant 0 : i32
    %dma_start3A_27 = tpu.memref_slice %arg4[%dma_start3A_25, %dma_start3A_26] : memref<14x768xi32, #tpu.memory_space<vmem>> -> memref<1x768xi32, #tpu.memory_space<vmem>>
    %dma_start3A_28 = tpu.memref_squeeze %dma_start3A_27 : memref<1x768xi32, #tpu.memory_space<vmem>> -> memref<768xi32, #tpu.memory_space<vmem>>
    %dma_start3A_29 = tpu.memref_slice %arg2[%dma_start3A_24, %add3A_23] : memref<2x320000xi32, #tpu.memory_space<hbm>> -> memref<1x768xi32, #tpu.memory_space<hbm>>
    %dma_start3A_30 = tpu.memref_squeeze %dma_start3A_29 : memref<1x768xi32, #tpu.memory_space<hbm>> -> memref<768xi32, #tpu.memory_space<hbm>>
    %dma_start3A_31 = arith.constant 0 : i32
    %dma_start3A_32 = tpu.memref_slice %arg4[%dma_start3A_25, %dma_start3A_31] : memref<14x768xi32, #tpu.memory_space<vmem>> -> memref<1x768xi32, #tpu.memory_space<vmem>>
    %dma_start3A_33 = tpu.memref_squeeze %dma_start3A_32 : memref<1x768xi32, #tpu.memory_space<vmem>> -> memref<768xi32, #tpu.memory_space<vmem>>
    %dma_start3A_34 = tpu.memref_slice %arg2[%dma_start3A_24, %add3A_23] : memref<2x320000xi32, #tpu.memory_space<hbm>> -> memref<1x768xi32, #tpu.memory_space<hbm>>
    %dma_start3A_35 = tpu.memref_squeeze %dma_start3A_34 : memref<1x768xi32, #tpu.memory_space<hbm>> -> memref<768xi32, #tpu.memory_space<hbm>>
    tpu.enqueue_dma source(%dma_start3A_35 : memref<768xi32, #tpu.memory_space<hbm>>) target(%dma_start3A_33 : memref<768xi32, #tpu.memory_space<vmem>>) target_semaphore(%arg10 : memref<!tpu.dma_semaphore, #tpu.memory_space<semaphore_mem>>)
    %add3A_36 = arith.constant 1536 : i32
    %add3A_37 = arith.addi %mul3A_8, %add3A_36 : i32
    %dma_start3A_38 = arith.constant 1 : i32
    %dma_start3A_39 = arith.constant 2 : i32
    %dma_start3A_40 = arith.constant 0 : i32
    %dma_start3A_41 = tpu.memref_slice %arg4[%dma_start3A_39, %dma_start3A_40] : memref<14x768xi32, #tpu.memory_space<vmem>> -> memref<1x768xi32, #tpu.memory_space<vmem>>
    %dma_start3A_42 = tpu.memref_squeeze %dma_start3A_41 : memref<1x768xi32, #tpu.memory_space<vmem>> -> memref<768xi32, #tpu.memory_space<vmem>>
    %dma_start3A_43 = tpu.memref_slice %arg2[%dma_start3A_38, %add3A_37] : memref<2x320000xi32, #tpu.memory_space<hbm>> -> memref<1x768xi32, #tpu.memory_space<hbm>>
    %dma_start3A_44 = tpu.memref_squeeze %dma_start3A_43 : memref<1x768xi32, #tpu.memory_space<hbm>> -> memref<768xi32, #tpu.memory_space<hbm>>
    %dma_start3A_45 = arith.constant 0 : i32
    %dma_start3A_46 = tpu.memref_slice %arg4[%dma_start3A_39, %dma_start3A_45] : memref<14x768xi32, #tpu.memory_space<vmem>> -> memref<1x768xi32, #tpu.memory_space<vmem>>
    %dma_start3A_47 = tpu.memref_squeeze %dma_start3A_46 : memref<1x768xi32, #tpu.memory_space<vmem>> -> memref<768xi32, #tpu.memory_space<vmem>>
    %dma_start3A_48 = tpu.memref_slice %arg2[%dma_start3A_38, %add3A_37] : memref<2x320000xi32, #tpu.memory_space<hbm>> -> memref<1x768xi32, #tpu.memory_space<hbm>>
    %dma_start3A_49 = tpu.memref_squeeze %dma_start3A_48 : memref<1x768xi32, #tpu.memory_space<hbm>> -> memref<768xi32, #tpu.memory_space<hbm>>
    tpu.enqueue_dma source(%dma_start3A_49 : memref<768xi32, #tpu.memory_space<hbm>>) target(%dma_start3A_47 : memref<768xi32, #tpu.memory_space<vmem>>) target_semaphore(%arg10 : memref<!tpu.dma_semaphore, #tpu.memory_space<semaphore_mem>>)
    %add3A_50 = arith.constant 2304 : i32
    %add3A_51 = arith.addi %mul3A_8, %add3A_50 : i32
    %dma_start3A_52 = arith.constant 1 : i32
    %dma_start3A_53 = arith.constant 3 : i32
    %dma_start3A_54 = arith.constant 0 : i32
    %dma_start3A_55 = tpu.memref_slice %arg4[%dma_start3A_53, %dma_start3A_54] : memref<14x768xi32, #tpu.memory_space<vmem>> -> memref<1x768xi32, #tpu.memory_space<vmem>>
    %dma_start3A_56 = tpu.memref_squeeze %dma_start3A_55 : memref<1x768xi32, #tpu.memory_space<vmem>> -> memref<768xi32, #tpu.memory_space<vmem>>
    %dma_start3A_57 = tpu.memref_slice %arg2[%dma_start3A_52, %add3A_51] : memref<2x320000xi32, #tpu.memory_space<hbm>> -> memref<1x768xi32, #tpu.memory_space<hbm>>
    %dma_start3A_58 = tpu.memref_squeeze %dma_start3A_57 : memref<1x768xi32, #tpu.memory_space<hbm>> -> memref<768xi32, #tpu.memory_space<hbm>>
    %dma_start3A_59 = arith.constant 0 : i32
    %dma_start3A_60 = tpu.memref_slice %arg4[%dma_start3A_53, %dma_start3A_59] : memref<14x768xi32, #tpu.memory_space<vmem>> -> memref<1x768xi32, #tpu.memory_space<vmem>>
    %dma_start3A_61 = tpu.memref_squeeze %dma_start3A_60 : memref<1x768xi32, #tpu.memory_space<vmem>> -> memref<768xi32, #tpu.memory_space<vmem>>
    %dma_start3A_62 = tpu.memref_slice %arg2[%dma_start3A_52, %add3A_51] : memref<2x320000xi32, #tpu.memory_space<hbm>> -> memref<1x768xi32, #tpu.memory_space<hbm>>
    %dma_start3A_63 = tpu.memref_squeeze %dma_start3A_62 : memref<1x768xi32, #tpu.memory_space<hbm>> -> memref<768xi32, #tpu.memory_space<hbm>>
    tpu.enqueue_dma source(%dma_start3A_63 : memref<768xi32, #tpu.memory_space<hbm>>) target(%dma_start3A_61 : memref<768xi32, #tpu.memory_space<vmem>>) target_semaphore(%arg10 : memref<!tpu.dma_semaphore, #tpu.memory_space<semaphore_mem>>)
    %add3A_64 = arith.constant 3072 : i32
    %add3A_65 = arith.addi %mul3A_8, %add3A_64 : i32
    %dma_start3A_66 = arith.constant 1 : i32
    %dma_start3A_67 = arith.constant 4 : i32
    %dma_start3A_68 = arith.constant 0 : i32
    %dma_start3A_69 = tpu.memref_slice %arg4[%dma_start3A_67, %dma_start3A_68] : memref<14x768xi32, #tpu.memory_space<vmem>> -> memref<1x768xi32, #tpu.memory_space<vmem>>
    %dma_start3A_70 = tpu.memref_squeeze %dma_start3A_69 : memref<1x768xi32, #tpu.memory_space<vmem>> -> memref<768xi32, #tpu.memory_space<vmem>>
    %dma_start3A_71 = tpu.memref_slice %arg2[%dma_start3A_66, %add3A_65] : memref<2x320000xi32, #tpu.memory_space<hbm>> -> memref<1x768xi32, #tpu.memory_space<hbm>>
    %dma_start3A_72 = tpu.memref_squeeze %dma_start3A_71 : memref<1x768xi32, #tpu.memory_space<hbm>> -> memref<768xi32, #tpu.memory_space<hbm>>
    %dma_start3A_73 = arith.constant 0 : i32
    %dma_start3A_74 = tpu.memref_slice %arg4[%dma_start3A_67, %dma_start3A_73] : memref<14x768xi32, #tpu.memory_space<vmem>> -> memref<1x768xi32, #tpu.memory_space<vmem>>
    %dma_start3A_75 = tpu.memref_squeeze %dma_start3A_74 : memref<1x768xi32, #tpu.memory_space<vmem>> -> memref<768xi32, #tpu.memory_space<vmem>>
    %dma_start3A_76 = tpu.memref_slice %arg2[%dma_start3A_66, %add3A_65] : memref<2x320000xi32, #tpu.memory_space<hbm>> -> memref<1x768xi32, #tpu.memory_space<hbm>>
    %dma_start3A_77 = tpu.memref_squeeze %dma_start3A_76 : memref<1x768xi32, #tpu.memory_space<hbm>> -> memref<768xi32, #tpu.memory_space<hbm>>
    tpu.enqueue_dma source(%dma_start3A_77 : memref<768xi32, #tpu.memory_space<hbm>>) target(%dma_start3A_75 : memref<768xi32, #tpu.memory_space<vmem>>) target_semaphore(%arg10 : memref<!tpu.dma_semaphore, #tpu.memory_space<semaphore_mem>>)
    %add3A_78 = arith.constant 3840 : i32
    %add3A_79 = arith.addi %mul3A_8, %add3A_78 : i32
    %dma_start3A_80 = arith.constant 1 : i32
    %dma_start3A_81 = arith.constant 5 : i32
    %dma_start3A_82 = arith.constant 0 : i32
    %dma_start3A_83 = tpu.memref_slice %arg4[%dma_start3A_81, %dma_start3A_82] : memref<14x768xi32, #tpu.memory_space<vmem>> -> memref<1x768xi32, #tpu.memory_space<vmem>>
    %dma_start3A_84 = tpu.memref_squeeze %dma_start3A_83 : memref<1x768xi32, #tpu.memory_space<vmem>> -> memref<768xi32, #tpu.memory_space<vmem>>
    %dma_start3A_85 = tpu.memref_slice %arg2[%dma_start3A_80, %add3A_79] : memref<2x320000xi32, #tpu.memory_space<hbm>> -> memref<1x768xi32, #tpu.memory_space<hbm>>
    %dma_start3A_86 = tpu.memref_squeeze %dma_start3A_85 : memref<1x768xi32, #tpu.memory_space<hbm>> -> memref<768xi32, #tpu.memory_space<hbm>>
    %dma_start3A_87 = arith.constant 0 : i32
    %dma_start3A_88 = tpu.memref_slice %arg4[%dma_start3A_81, %dma_start3A_87] : memref<14x768xi32, #tpu.memory_space<vmem>> -> memref<1x768xi32, #tpu.memory_space<vmem>>
    %dma_start3A_89 = tpu.memref_squeeze %dma_start3A_88 : memref<1x768xi32, #tpu.memory_space<vmem>> -> memref<768xi32, #tpu.memory_space<vmem>>
    %dma_start3A_90 = tpu.memref_slice %arg2[%dma_start3A_80, %add3A_79] : memref<2x320000xi32, #tpu.memory_space<hbm>> -> memref<1x768xi32, #tpu.memory_space<hbm>>
    %dma_start3A_91 = tpu.memref_squeeze %dma_start3A_90 : memref<1x768xi32, #tpu.memory_space<hbm>> -> memref<768xi32, #tpu.memory_space<hbm>>
    tpu.enqueue_dma source(%dma_start3A_91 : memref<768xi32, #tpu.memory_space<hbm>>) target(%dma_start3A_89 : memref<768xi32, #tpu.memory_space<vmem>>) target_semaphore(%arg10 : memref<!tpu.dma_semaphore, #tpu.memory_space<semaphore_mem>>)
    %add3A_92 = arith.constant 4608 : i32
    %add3A_93 = arith.addi %mul3A_8, %add3A_92 : i32
    %dma_start3A_94 = arith.constant 1 : i32
    %dma_start3A_95 = arith.constant 6 : i32
    %dma_start3A_96 = arith.constant 0 : i32
    %dma_start3A_97 = tpu.memref_slice %arg4[%dma_start3A_95, %dma_start3A_96] : memref<14x768xi32, #tpu.memory_space<vmem>> -> memref<1x768xi32, #tpu.memory_space<vmem>>
    %dma_start3A_98 = tpu.memref_squeeze %dma_start3A_97 : memref<1x768xi32, #tpu.memory_space<vmem>> -> memref<768xi32, #tpu.memory_space<vmem>>
    %dma_start3A_99 = tpu.memref_slice %arg2[%dma_start3A_94, %add3A_93] : memref<2x320000xi32, #tpu.memory_space<hbm>> -> memref<1x768xi32, #tpu.memory_space<hbm>>
    %dma_start3A_100 = tpu.memref_squeeze %dma_start3A_99 : memref<1x768xi32, #tpu.memory_space<hbm>> -> memref<768xi32, #tpu.memory_space<hbm>>
    %dma_start3A_101 = arith.constant 0 : i32
    %dma_start3A_102 = tpu.memref_slice %arg4[%dma_start3A_95, %dma_start3A_101] : memref<14x768xi32, #tpu.memory_space<vmem>> -> memref<1x768xi32, #tpu.memory_space<vmem>>
    %dma_start3A_103 = tpu.memref_squeeze %dma_start3A_102 : memref<1x768xi32, #tpu.memory_space<vmem>> -> memref<768xi32, #tpu.memory_space<vmem>>
    %dma_start3A_104 = tpu.memref_slice %arg2[%dma_start3A_94, %add3A_93] : memref<2x320000xi32, #tpu.memory_space<hbm>> -> memref<1x768xi32, #tpu.memory_space<hbm>>
    %dma_start3A_105 = tpu.memref_squeeze %dma_start3A_104 : memref<1x768xi32, #tpu.memory_space<hbm>> -> memref<768xi32, #tpu.memory_space<hbm>>
    tpu.enqueue_dma source(%dma_start3A_105 : memref<768xi32, #tpu.memory_space<hbm>>) target(%dma_start3A_103 : memref<768xi32, #tpu.memory_space<vmem>>) target_semaphore(%arg10 : memref<!tpu.dma_semaphore, #tpu.memory_space<semaphore_mem>>)
    %add3A_106 = arith.constant 5376 : i32
    %add3A_107 = arith.addi %mul3A_8, %add3A_106 : i32
    %dma_start3A_108 = arith.constant 1 : i32
    %dma_start3A_109 = arith.constant 7 : i32
    %dma_start3A_110 = arith.constant 0 : i32
    %dma_start3A_111 = tpu.memref_slice %arg4[%dma_start3A_109, %dma_start3A_110] : memref<14x768xi32, #tpu.memory_space<vmem>> -> memref<1x768xi32, #tpu.memory_space<vmem>>
    %dma_start3A_112 = tpu.memref_squeeze %dma_start3A_111 : memref<1x768xi32, #tpu.memory_space<vmem>> -> memref<768xi32, #tpu.memory_space<vmem>>
    %dma_start3A_113 = tpu.memref_slice %arg2[%dma_start3A_108, %add3A_107] : memref<2x320000xi32, #tpu.memory_space<hbm>> -> memref<1x768xi32, #tpu.memory_space<hbm>>
    %dma_start3A_114 = tpu.memref_squeeze %dma_start3A_113 : memref<1x768xi32, #tpu.memory_space<hbm>> -> memref<768xi32, #tpu.memory_space<hbm>>
    %dma_start3A_115 = arith.constant 0 : i32
    %dma_start3A_116 = tpu.memref_slice %arg4[%dma_start3A_109, %dma_start3A_115] : memref<14x768xi32, #tpu.memory_space<vmem>> -> memref<1x768xi32, #tpu.memory_space<vmem>>
    %dma_start3A_117 = tpu.memref_squeeze %dma_start3A_116 : memref<1x768xi32, #tpu.memory_space<vmem>> -> memref<768xi32, #tpu.memory_space<vmem>>
    %dma_start3A_118 = tpu.memref_slice %arg2[%dma_start3A_108, %add3A_107] : memref<2x320000xi32, #tpu.memory_space<hbm>> -> memref<1x768xi32, #tpu.memory_space<hbm>>
    %dma_start3A_119 = tpu.memref_squeeze %dma_start3A_118 : memref<1x768xi32, #tpu.memory_space<hbm>> -> memref<768xi32, #tpu.memory_space<hbm>>
    tpu.enqueue_dma source(%dma_start3A_119 : memref<768xi32, #tpu.memory_space<hbm>>) target(%dma_start3A_117 : memref<768xi32, #tpu.memory_space<vmem>>) target_semaphore(%arg10 : memref<!tpu.dma_semaphore, #tpu.memory_space<semaphore_mem>>)
    %add3A_120 = arith.constant 6144 : i32
    %add3A_121 = arith.addi %mul3A_8, %add3A_120 : i32
    %dma_start3A_122 = arith.constant 1 : i32
    %dma_start3A_123 = arith.constant 8 : i32
    %dma_start3A_124 = arith.constant 0 : i32
    %dma_start3A_125 = tpu.memref_slice %arg4[%dma_start3A_123, %dma_start3A_124] : memref<14x768xi32, #tpu.memory_space<vmem>> -> memref<1x768xi32, #tpu.memory_space<vmem>>
    %dma_start3A_126 = tpu.memref_squeeze %dma_start3A_125 : memref<1x768xi32, #tpu.memory_space<vmem>> -> memref<768xi32, #tpu.memory_space<vmem>>
    %dma_start3A_127 = tpu.memref_slice %arg2[%dma_start3A_122, %add3A_121] : memref<2x320000xi32, #tpu.memory_space<hbm>> -> memref<1x768xi32, #tpu.memory_space<hbm>>
    %dma_start3A_128 = tpu.memref_squeeze %dma_start3A_127 : memref<1x768xi32, #tpu.memory_space<hbm>> -> memref<768xi32, #tpu.memory_space<hbm>>
    %dma_start3A_129 = arith.constant 0 : i32
    %dma_start3A_130 = tpu.memref_slice %arg4[%dma_start3A_123, %dma_start3A_129] : memref<14x768xi32, #tpu.memory_space<vmem>> -> memref<1x768xi32, #tpu.memory_space<vmem>>
    %dma_start3A_131 = tpu.memref_squeeze %dma_start3A_130 : memref<1x768xi32, #tpu.memory_space<vmem>> -> memref<768xi32, #tpu.memory_space<vmem>>
    %dma_start3A_132 = tpu.memref_slice %arg2[%dma_start3A_122, %add3A_121] : memref<2x320000xi32, #tpu.memory_space<hbm>> -> memref<1x768xi32, #tpu.memory_space<hbm>>
    %dma_start3A_133 = tpu.memref_squeeze %dma_start3A_132 : memref<1x768xi32, #tpu.memory_space<hbm>> -> memref<768xi32, #tpu.memory_space<hbm>>
    tpu.enqueue_dma source(%dma_start3A_133 : memref<768xi32, #tpu.memory_space<hbm>>) target(%dma_start3A_131 : memref<768xi32, #tpu.memory_space<vmem>>) target_semaphore(%arg10 : memref<!tpu.dma_semaphore, #tpu.memory_space<semaphore_mem>>)
    %add3A_134 = arith.constant 6912 : i32
    %add3A_135 = arith.addi %mul3A_8, %add3A_134 : i32
    %dma_start3A_136 = arith.constant 1 : i32
    %dma_start3A_137 = arith.constant 9 : i32
    %dma_start3A_138 = arith.constant 0 : i32
    %dma_start3A_139 = tpu.memref_slice %arg4[%dma_start3A_137, %dma_start3A_138] : memref<14x768xi32, #tpu.memory_space<vmem>> -> memref<1x768xi32, #tpu.memory_space<vmem>>
    %dma_start3A_140 = tpu.memref_squeeze %dma_start3A_139 : memref<1x768xi32, #tpu.memory_space<vmem>> -> memref<768xi32, #tpu.memory_space<vmem>>
    %dma_start3A_141 = tpu.memref_slice %arg2[%dma_start3A_136, %add3A_135] : memref<2x320000xi32, #tpu.memory_space<hbm>> -> memref<1x768xi32, #tpu.memory_space<hbm>>
    %dma_start3A_142 = tpu.memref_squeeze %dma_start3A_141 : memref<1x768xi32, #tpu.memory_space<hbm>> -> memref<768xi32, #tpu.memory_space<hbm>>
    %dma_start3A_143 = arith.constant 0 : i32
    %dma_start3A_144 = tpu.memref_slice %arg4[%dma_start3A_137, %dma_start3A_143] : memref<14x768xi32, #tpu.memory_space<vmem>> -> memref<1x768xi32, #tpu.memory_space<vmem>>
    %dma_start3A_145 = tpu.memref_squeeze %dma_start3A_144 : memref<1x768xi32, #tpu.memory_space<vmem>> -> memref<768xi32, #tpu.memory_space<vmem>>
    %dma_start3A_146 = tpu.memref_slice %arg2[%dma_start3A_136, %add3A_135] : memref<2x320000xi32, #tpu.memory_space<hbm>> -> memref<1x768xi32, #tpu.memory_space<hbm>>
    %dma_start3A_147 = tpu.memref_squeeze %dma_start3A_146 : memref<1x768xi32, #tpu.memory_space<hbm>> -> memref<768xi32, #tpu.memory_space<hbm>>
    tpu.enqueue_dma source(%dma_start3A_147 : memref<768xi32, #tpu.memory_space<hbm>>) target(%dma_start3A_145 : memref<768xi32, #tpu.memory_space<vmem>>) target_semaphore(%arg10 : memref<!tpu.dma_semaphore, #tpu.memory_space<semaphore_mem>>)
    %add3A_148 = arith.constant 7680 : i32
    %add3A_149 = arith.addi %mul3A_8, %add3A_148 : i32
    %dma_start3A_150 = arith.constant 1 : i32
    %dma_start3A_151 = arith.constant 10 : i32
    %dma_start3A_152 = arith.constant 0 : i32
    %dma_start3A_153 = tpu.memref_slice %arg4[%dma_start3A_151, %dma_start3A_152] : memref<14x768xi32, #tpu.memory_space<vmem>> -> memref<1x768xi32, #tpu.memory_space<vmem>>
    %dma_start3A_154 = tpu.memref_squeeze %dma_start3A_153 : memref<1x768xi32, #tpu.memory_space<vmem>> -> memref<768xi32, #tpu.memory_space<vmem>>
    %dma_start3A_155 = tpu.memref_slice %arg2[%dma_start3A_150, %add3A_149] : memref<2x320000xi32, #tpu.memory_space<hbm>> -> memref<1x768xi32, #tpu.memory_space<hbm>>
    %dma_start3A_156 = tpu.memref_squeeze %dma_start3A_155 : memref<1x768xi32, #tpu.memory_space<hbm>> -> memref<768xi32, #tpu.memory_space<hbm>>
    %dma_start3A_157 = arith.constant 0 : i32
    %dma_start3A_158 = tpu.memref_slice %arg4[%dma_start3A_151, %dma_start3A_157] : memref<14x768xi32, #tpu.memory_space<vmem>> -> memref<1x768xi32, #tpu.memory_space<vmem>>
    %dma_start3A_159 = tpu.memref_squeeze %dma_start3A_158 : memref<1x768xi32, #tpu.memory_space<vmem>> -> memref<768xi32, #tpu.memory_space<vmem>>
    %dma_start3A_160 = tpu.memref_slice %arg2[%dma_start3A_150, %add3A_149] : memref<2x320000xi32, #tpu.memory_space<hbm>> -> memref<1x768xi32, #tpu.memory_space<hbm>>
    %dma_start3A_161 = tpu.memref_squeeze %dma_start3A_160 : memref<1x768xi32, #tpu.memory_space<hbm>> -> memref<768xi32, #tpu.memory_space<hbm>>
    tpu.enqueue_dma source(%dma_start3A_161 : memref<768xi32, #tpu.memory_space<hbm>>) target(%dma_start3A_159 : memref<768xi32, #tpu.memory_space<vmem>>) target_semaphore(%arg10 : memref<!tpu.dma_semaphore, #tpu.memory_space<semaphore_mem>>)
    %add3A_162 = arith.constant 8448 : i32
    %add3A_163 = arith.addi %mul3A_8, %add3A_162 : i32
    %dma_start3A_164 = arith.constant 1 : i32
    %dma_start3A_165 = arith.constant 11 : i32
    %dma_start3A_166 = arith.constant 0 : i32
    %dma_start3A_167 = tpu.memref_slice %arg4[%dma_start3A_165, %dma_start3A_166] : memref<14x768xi32, #tpu.memory_space<vmem>> -> memref<1x768xi32, #tpu.memory_space<vmem>>
    %dma_start3A_168 = tpu.memref_squeeze %dma_start3A_167 : memref<1x768xi32, #tpu.memory_space<vmem>> -> memref<768xi32, #tpu.memory_space<vmem>>
    %dma_start3A_169 = tpu.memref_slice %arg2[%dma_start3A_164, %add3A_163] : memref<2x320000xi32, #tpu.memory_space<hbm>> -> memref<1x768xi32, #tpu.memory_space<hbm>>
    %dma_start3A_170 = tpu.memref_squeeze %dma_start3A_169 : memref<1x768xi32, #tpu.memory_space<hbm>> -> memref<768xi32, #tpu.memory_space<hbm>>
    %dma_start3A_171 = arith.constant 0 : i32
    %dma_start3A_172 = tpu.memref_slice %arg4[%dma_start3A_165, %dma_start3A_171] : memref<14x768xi32, #tpu.memory_space<vmem>> -> memref<1x768xi32, #tpu.memory_space<vmem>>
    %dma_start3A_173 = tpu.memref_squeeze %dma_start3A_172 : memref<1x768xi32, #tpu.memory_space<vmem>> -> memref<768xi32, #tpu.memory_space<vmem>>
    %dma_start3A_174 = tpu.memref_slice %arg2[%dma_start3A_164, %add3A_163] : memref<2x320000xi32, #tpu.memory_space<hbm>> -> memref<1x768xi32, #tpu.memory_space<hbm>>
    %dma_start3A_175 = tpu.memref_squeeze %dma_start3A_174 : memref<1x768xi32, #tpu.memory_space<hbm>> -> memref<768xi32, #tpu.memory_space<hbm>>
    tpu.enqueue_dma source(%dma_start3A_175 : memref<768xi32, #tpu.memory_space<hbm>>) target(%dma_start3A_173 : memref<768xi32, #tpu.memory_space<vmem>>) target_semaphore(%arg10 : memref<!tpu.dma_semaphore, #tpu.memory_space<semaphore_mem>>)
    %add3A_176 = arith.constant 9216 : i32
    %add3A_177 = arith.addi %mul3A_8, %add3A_176 : i32
    %dma_start3A_178 = arith.constant 1 : i32
    %dma_start3A_179 = arith.constant 12 : i32
    %dma_start3A_180 = arith.constant 0 : i32
    %dma_start3A_181 = tpu.memref_slice %arg4[%dma_start3A_179, %dma_start3A_180] : memref<14x768xi32, #tpu.memory_space<vmem>> -> memref<1x768xi32, #tpu.memory_space<vmem>>
    %dma_start3A_182 = tpu.memref_squeeze %dma_start3A_181 : memref<1x768xi32, #tpu.memory_space<vmem>> -> memref<768xi32, #tpu.memory_space<vmem>>
    %dma_start3A_183 = tpu.memref_slice %arg2[%dma_start3A_178, %add3A_177] : memref<2x320000xi32, #tpu.memory_space<hbm>> -> memref<1x768xi32, #tpu.memory_space<hbm>>
    %dma_start3A_184 = tpu.memref_squeeze %dma_start3A_183 : memref<1x768xi32, #tpu.memory_space<hbm>> -> memref<768xi32, #tpu.memory_space<hbm>>
    %dma_start3A_185 = arith.constant 0 : i32
    %dma_start3A_186 = tpu.memref_slice %arg4[%dma_start3A_179, %dma_start3A_185] : memref<14x768xi32, #tpu.memory_space<vmem>> -> memref<1x768xi32, #tpu.memory_space<vmem>>
    %dma_start3A_187 = tpu.memref_squeeze %dma_start3A_186 : memref<1x768xi32, #tpu.memory_space<vmem>> -> memref<768xi32, #tpu.memory_space<vmem>>
    %dma_start3A_188 = tpu.memref_slice %arg2[%dma_start3A_178, %add3A_177] : memref<2x320000xi32, #tpu.memory_space<hbm>> -> memref<1x768xi32, #tpu.memory_space<hbm>>
    %dma_start3A_189 = tpu.memref_squeeze %dma_start3A_188 : memref<1x768xi32, #tpu.memory_space<hbm>> -> memref<768xi32, #tpu.memory_space<hbm>>
    tpu.enqueue_dma source(%dma_start3A_189 : memref<768xi32, #tpu.memory_space<hbm>>) target(%dma_start3A_187 : memref<768xi32, #tpu.memory_space<vmem>>) target_semaphore(%arg10 : memref<!tpu.dma_semaphore, #tpu.memory_space<semaphore_mem>>)
    %add3A_190 = arith.constant 0 : i32
    %add3A_191 = arith.addi %mul3A_8, %add3A_190 : i32
    %dma_wait3A = arith.constant 1 : i32
    %dma_wait3A_192 = arith.constant 0 : i32
    %dma_wait3A_193 = arith.constant 0 : i32
    %dma_wait3A_194 = tpu.memref_slice %arg4[%dma_wait3A_192, %dma_wait3A_193] : memref<14x768xi32, #tpu.memory_space<vmem>> -> memref<1x768xi32, #tpu.memory_space<vmem>>
    %dma_wait3A_195 = tpu.memref_squeeze %dma_wait3A_194 : memref<1x768xi32, #tpu.memory_space<vmem>> -> memref<768xi32, #tpu.memory_space<vmem>>
    %dma_wait3A_196 = tpu.memref_slice %arg2[%dma_wait3A, %add3A_191] : memref<2x320000xi32, #tpu.memory_space<hbm>> -> memref<1x768xi32, #tpu.memory_space<hbm>>
    %dma_wait3A_197 = tpu.memref_squeeze %dma_wait3A_196 : memref<1x768xi32, #tpu.memory_space<hbm>> -> memref<768xi32, #tpu.memory_space<hbm>>
    %dma_wait3A_198 = arith.constant 0 : i32
    %dma_wait3A_199 = tpu.memref_slice %arg4[%dma_wait3A_192, %dma_wait3A_198] : memref<14x768xi32, #tpu.memory_space<vmem>> -> memref<1x768xi32, #tpu.memory_space<vmem>>
    %dma_wait3A_200 = tpu.memref_squeeze %dma_wait3A_199 : memref<1x768xi32, #tpu.memory_space<vmem>> -> memref<768xi32, #tpu.memory_space<vmem>>
    %dma_wait3A_201 = tpu.memref_slice %arg2[%dma_wait3A, %add3A_191] : memref<2x320000xi32, #tpu.memory_space<hbm>> -> memref<1x768xi32, #tpu.memory_space<hbm>>
    %dma_wait3A_202 = tpu.memref_squeeze %dma_wait3A_201 : memref<1x768xi32, #tpu.memory_space<hbm>> -> memref<768xi32, #tpu.memory_space<hbm>>
    tpu.wait_dma2 semaphore(%arg10 : memref<!tpu.dma_semaphore, #tpu.memory_space<semaphore_mem>>) src(%dma_wait3A_202 : memref<768xi32, #tpu.memory_space<hbm>>) dst(%dma_wait3A_200 : memref<768xi32, #tpu.memory_space<vmem>>)
    %add3A_203 = arith.constant 768 : i32
    %add3A_204 = arith.addi %mul3A_8, %add3A_203 : i32
    %dma_wait3A_205 = arith.constant 1 : i32
    %dma_wait3A_206 = arith.constant 1 : i32
    %dma_wait3A_207 = arith.constant 0 : i32
    %dma_wait3A_208 = tpu.memref_slice %arg4[%dma_wait3A_206, %dma_wait3A_207] : memref<14x768xi32, #tpu.memory_space<vmem>> -> memref<1x768xi32, #tpu.memory_space<vmem>>
    %dma_wait3A_209 = tpu.memref_squeeze %dma_wait3A_208 : memref<1x768xi32, #tpu.memory_space<vmem>> -> memref<768xi32, #tpu.memory_space<vmem>>
    %dma_wait3A_210 = tpu.memref_slice %arg2[%dma_wait3A_205, %add3A_204] : memref<2x320000xi32, #tpu.memory_space<hbm>> -> memref<1x768xi32, #tpu.memory_space<hbm>>
    %dma_wait3A_211 = tpu.memref_squeeze %dma_wait3A_210 : memref<1x768xi32, #tpu.memory_space<hbm>> -> memref<768xi32, #tpu.memory_space<hbm>>
    %dma_wait3A_212 = arith.constant 0 : i32
    %dma_wait3A_213 = tpu.memref_slice %arg4[%dma_wait3A_206, %dma_wait3A_212] : memref<14x768xi32, #tpu.memory_space<vmem>> -> memref<1x768xi32, #tpu.memory_space<vmem>>
    %dma_wait3A_214 = tpu.memref_squeeze %dma_wait3A_213 : memref<1x768xi32, #tpu.memory_space<vmem>> -> memref<768xi32, #tpu.memory_space<vmem>>
    %dma_wait3A_215 = tpu.memref_slice %arg2[%dma_wait3A_205, %add3A_204] : memref<2x320000xi32, #tpu.memory_space<hbm>> -> memref<1x768xi32, #tpu.memory_space<hbm>>
    %dma_wait3A_216 = tpu.memref_squeeze %dma_wait3A_215 : memref<1x768xi32, #tpu.memory_space<hbm>> -> memref<768xi32, #tpu.memory_space<hbm>>
    tpu.wait_dma2 semaphore(%arg10 : memref<!tpu.dma_semaphore, #tpu.memory_space<semaphore_mem>>) src(%dma_wait3A_216 : memref<768xi32, #tpu.memory_space<hbm>>) dst(%dma_wait3A_214 : memref<768xi32, #tpu.memory_space<vmem>>)
    %add3A_217 = arith.constant 1536 : i32
    %add3A_218 = arith.addi %mul3A_8, %add3A_217 : i32
    %dma_wait3A_219 = arith.constant 1 : i32
    %dma_wait3A_220 = arith.constant 2 : i32
    %dma_wait3A_221 = arith.constant 0 : i32
    %dma_wait3A_222 = tpu.memref_slice %arg4[%dma_wait3A_220, %dma_wait3A_221] : memref<14x768xi32, #tpu.memory_space<vmem>> -> memref<1x768xi32, #tpu.memory_space<vmem>>
    %dma_wait3A_223 = tpu.memref_squeeze %dma_wait3A_222 : memref<1x768xi32, #tpu.memory_space<vmem>> -> memref<768xi32, #tpu.memory_space<vmem>>
    %dma_wait3A_224 = tpu.memref_slice %arg2[%dma_wait3A_219, %add3A_218] : memref<2x320000xi32, #tpu.memory_space<hbm>> -> memref<1x768xi32, #tpu.memory_space<hbm>>
    %dma_wait3A_225 = tpu.memref_squeeze %dma_wait3A_224 : memref<1x768xi32, #tpu.memory_space<hbm>> -> memref<768xi32, #tpu.memory_space<hbm>>
    %dma_wait3A_226 = arith.constant 0 : i32
    %dma_wait3A_227 = tpu.memref_slice %arg4[%dma_wait3A_220, %dma_wait3A_226] : memref<14x768xi32, #tpu.memory_space<vmem>> -> memref<1x768xi32, #tpu.memory_space<vmem>>
    %dma_wait3A_228 = tpu.memref_squeeze %dma_wait3A_227 : memref<1x768xi32, #tpu.memory_space<vmem>> -> memref<768xi32, #tpu.memory_space<vmem>>
    %dma_wait3A_229 = tpu.memref_slice %arg2[%dma_wait3A_219, %add3A_218] : memref<2x320000xi32, #tpu.memory_space<hbm>> -> memref<1x768xi32, #tpu.memory_space<hbm>>
    %dma_wait3A_230 = tpu.memref_squeeze %dma_wait3A_229 : memref<1x768xi32, #tpu.memory_space<hbm>> -> memref<768xi32, #tpu.memory_space<hbm>>
    tpu.wait_dma2 semaphore(%arg10 : memref<!tpu.dma_semaphore, #tpu.memory_space<semaphore_mem>>) src(%dma_wait3A_230 : memref<768xi32, #tpu.memory_space<hbm>>) dst(%dma_wait3A_228 : memref<768xi32, #tpu.memory_space<vmem>>)
    %add3A_231 = arith.constant 2304 : i32
    %add3A_232 = arith.addi %mul3A_8, %add3A_231 : i32
    %dma_wait3A_233 = arith.constant 1 : i32
    %dma_wait3A_234 = arith.constant 3 : i32
    %dma_wait3A_235 = arith.constant 0 : i32
    %dma_wait3A_236 = tpu.memref_slice %arg4[%dma_wait3A_234, %dma_wait3A_235] : memref<14x768xi32, #tpu.memory_space<vmem>> -> memref<1x768xi32, #tpu.memory_space<vmem>>
    %dma_wait3A_237 = tpu.memref_squeeze %dma_wait3A_236 : memref<1x768xi32, #tpu.memory_space<vmem>> -> memref<768xi32, #tpu.memory_space<vmem>>
    %dma_wait3A_238 = tpu.memref_slice %arg2[%dma_wait3A_233, %add3A_232] : memref<2x320000xi32, #tpu.memory_space<hbm>> -> memref<1x768xi32, #tpu.memory_space<hbm>>
    %dma_wait3A_239 = tpu.memref_squeeze %dma_wait3A_238 : memref<1x768xi32, #tpu.memory_space<hbm>> -> memref<768xi32, #tpu.memory_space<hbm>>
    %dma_wait3A_240 = arith.constant 0 : i32
    %dma_wait3A_241 = tpu.memref_slice %arg4[%dma_wait3A_234, %dma_wait3A_240] : memref<14x768xi32, #tpu.memory_space<vmem>> -> memref<1x768xi32, #tpu.memory_space<vmem>>
    %dma_wait3A_242 = tpu.memref_squeeze %dma_wait3A_241 : memref<1x768xi32, #tpu.memory_space<vmem>> -> memref<768xi32, #tpu.memory_space<vmem>>
    %dma_wait3A_243 = tpu.memref_slice %arg2[%dma_wait3A_233, %add3A_232] : memref<2x320000xi32, #tpu.memory_space<hbm>> -> memref<1x768xi32, #tpu.memory_space<hbm>>
    %dma_wait3A_244 = tpu.memref_squeeze %dma_wait3A_243 : memref<1x768xi32, #tpu.memory_space<hbm>> -> memref<768xi32, #tpu.memory_space<hbm>>
    tpu.wait_dma2 semaphore(%arg10 : memref<!tpu.dma_semaphore, #tpu.memory_space<semaphore_mem>>) src(%dma_wait3A_244 : memref<768xi32, #tpu.memory_space<hbm>>) dst(%dma_wait3A_242 : memref<768xi32, #tpu.memory_space<vmem>>)
    %add3A_245 = arith.constant 3072 : i32
    %add3A_246 = arith.addi %mul3A_8, %add3A_245 : i32
    %dma_wait3A_247 = arith.constant 1 : i32
    %dma_wait3A_248 = arith.constant 4 : i32
    %dma_wait3A_249 = arith.constant 0 : i32
    %dma_wait3A_250 = tpu.memref_slice %arg4[%dma_wait3A_248, %dma_wait3A_249] : memref<14x768xi32, #tpu.memory_space<vmem>> -> memref<1x768xi32, #tpu.memory_space<vmem>>
    %dma_wait3A_251 = tpu.memref_squeeze %dma_wait3A_250 : memref<1x768xi32, #tpu.memory_space<vmem>> -> memref<768xi32, #tpu.memory_space<vmem>>
    %dma_wait3A_252 = tpu.memref_slice %arg2[%dma_wait3A_247, %add3A_246] : memref<2x320000xi32, #tpu.memory_space<hbm>> -> memref<1x768xi32, #tpu.memory_space<hbm>>
    %dma_wait3A_253 = tpu.memref_squeeze %dma_wait3A_252 : memref<1x768xi32, #tpu.memory_space<hbm>> -> memref<768xi32, #tpu.memory_space<hbm>>
    %dma_wait3A_254 = arith.constant 0 : i32
    %dma_wait3A_255 = tpu.memref_slice %arg4[%dma_wait3A_248, %dma_wait3A_254] : memref<14x768xi32, #tpu.memory_space<vmem>> -> memref<1x768xi32, #tpu.memory_space<vmem>>
    %dma_wait3A_256 = tpu.memref_squeeze %dma_wait3A_255 : memref<1x768xi32, #tpu.memory_space<vmem>> -> memref<768xi32, #tpu.memory_space<vmem>>
    %dma_wait3A_257 = tpu.memref_slice %arg2[%dma_wait3A_247, %add3A_246] : memref<2x320000xi32, #tpu.memory_space<hbm>> -> memref<1x768xi32, #tpu.memory_space<hbm>>
    %dma_wait3A_258 = tpu.memref_squeeze %dma_wait3A_257 : memref<1x768xi32, #tpu.memory_space<hbm>> -> memref<768xi32, #tpu.memory_space<hbm>>
    tpu.wait_dma2 semaphore(%arg10 : memref<!tpu.dma_semaphore, #tpu.memory_space<semaphore_mem>>) src(%dma_wait3A_258 : memref<768xi32, #tpu.memory_space<hbm>>) dst(%dma_wait3A_256 : memref<768xi32, #tpu.memory_space<vmem>>)
    %add3A_259 = arith.constant 3840 : i32
    %add3A_260 = arith.addi %mul3A_8, %add3A_259 : i32
    %dma_wait3A_261 = arith.constant 1 : i32
    %dma_wait3A_262 = arith.constant 5 : i32
    %dma_wait3A_263 = arith.constant 0 : i32
    %dma_wait3A_264 = tpu.memref_slice %arg4[%dma_wait3A_262, %dma_wait3A_263] : memref<14x768xi32, #tpu.memory_space<vmem>> -> memref<1x768xi32, #tpu.memory_space<vmem>>
    %dma_wait3A_265 = tpu.memref_squeeze %dma_wait3A_264 : memref<1x768xi32, #tpu.memory_space<vmem>> -> memref<768xi32, #tpu.memory_space<vmem>>
    %dma_wait3A_266 = tpu.memref_slice %arg2[%dma_wait3A_261, %add3A_260] : memref<2x320000xi32, #tpu.memory_space<hbm>> -> memref<1x768xi32, #tpu.memory_space<hbm>>
    %dma_wait3A_267 = tpu.memref_squeeze %dma_wait3A_266 : memref<1x768xi32, #tpu.memory_space<hbm>> -> memref<768xi32, #tpu.memory_space<hbm>>
    %dma_wait3A_268 = arith.constant 0 : i32
    %dma_wait3A_269 = tpu.memref_slice %arg4[%dma_wait3A_262, %dma_wait3A_268] : memref<14x768xi32, #tpu.memory_space<vmem>> -> memref<1x768xi32, #tpu.memory_space<vmem>>
    %dma_wait3A_270 = tpu.memref_squeeze %dma_wait3A_269 : memref<1x768xi32, #tpu.memory_space<vmem>> -> memref<768xi32, #tpu.memory_space<vmem>>
    %dma_wait3A_271 = tpu.memref_slice %arg2[%dma_wait3A_261, %add3A_260] : memref<2x320000xi32, #tpu.memory_space<hbm>> -> memref<1x768xi32, #tpu.memory_space<hbm>>
    %dma_wait3A_272 = tpu.memref_squeeze %dma_wait3A_271 : memref<1x768xi32, #tpu.memory_space<hbm>> -> memref<768xi32, #tpu.memory_space<hbm>>
    tpu.wait_dma2 semaphore(%arg10 : memref<!tpu.dma_semaphore, #tpu.memory_space<semaphore_mem>>) src(%dma_wait3A_272 : memref<768xi32, #tpu.memory_space<hbm>>) dst(%dma_wait3A_270 : memref<768xi32, #tpu.memory_space<vmem>>)
    %add3A_273 = arith.constant 4608 : i32
    %add3A_274 = arith.addi %mul3A_8, %add3A_273 : i32
    %dma_wait3A_275 = arith.constant 1 : i32
    %dma_wait3A_276 = arith.constant 6 : i32
    %dma_wait3A_277 = arith.constant 0 : i32
    %dma_wait3A_278 = tpu.memref_slice %arg4[%dma_wait3A_276, %dma_wait3A_277] : memref<14x768xi32, #tpu.memory_space<vmem>> -> memref<1x768xi32, #tpu.memory_space<vmem>>
    %dma_wait3A_279 = tpu.memref_squeeze %dma_wait3A_278 : memref<1x768xi32, #tpu.memory_space<vmem>> -> memref<768xi32, #tpu.memory_space<vmem>>
    %dma_wait3A_280 = tpu.memref_slice %arg2[%dma_wait3A_275, %add3A_274] : memref<2x320000xi32, #tpu.memory_space<hbm>> -> memref<1x768xi32, #tpu.memory_space<hbm>>
    %dma_wait3A_281 = tpu.memref_squeeze %dma_wait3A_280 : memref<1x768xi32, #tpu.memory_space<hbm>> -> memref<768xi32, #tpu.memory_space<hbm>>
    %dma_wait3A_282 = arith.constant 0 : i32
    %dma_wait3A_283 = tpu.memref_slice %arg4[%dma_wait3A_276, %dma_wait3A_282] : memref<14x768xi32, #tpu.memory_space<vmem>> -> memref<1x768xi32, #tpu.memory_space<vmem>>
    %dma_wait3A_284 = tpu.memref_squeeze %dma_wait3A_283 : memref<1x768xi32, #tpu.memory_space<vmem>> -> memref<768xi32, #tpu.memory_space<vmem>>
    %dma_wait3A_285 = tpu.memref_slice %arg2[%dma_wait3A_275, %add3A_274] : memref<2x320000xi32, #tpu.memory_space<hbm>> -> memref<1x768xi32, #tpu.memory_space<hbm>>
    %dma_wait3A_286 = tpu.memref_squeeze %dma_wait3A_285 : memref<1x768xi32, #tpu.memory_space<hbm>> -> memref<768xi32, #tpu.memory_space<hbm>>
    tpu.wait_dma2 semaphore(%arg10 : memref<!tpu.dma_semaphore, #tpu.memory_space<semaphore_mem>>) src(%dma_wait3A_286 : memref<768xi32, #tpu.memory_space<hbm>>) dst(%dma_wait3A_284 : memref<768xi32, #tpu.memory_space<vmem>>)
    %add3A_287 = arith.constant 5376 : i32
    %add3A_288 = arith.addi %mul3A_8, %add3A_287 : i32
    %dma_wait3A_289 = arith.constant 1 : i32
    %dma_wait3A_290 = arith.constant 7 : i32
    %dma_wait3A_291 = arith.constant 0 : i32
    %dma_wait3A_292 = tpu.memref_slice %arg4[%dma_wait3A_290, %dma_wait3A_291] : memref<14x768xi32, #tpu.memory_space<vmem>> -> memref<1x768xi32, #tpu.memory_space<vmem>>
    %dma_wait3A_293 = tpu.memref_squeeze %dma_wait3A_292 : memref<1x768xi32, #tpu.memory_space<vmem>> -> memref<768xi32, #tpu.memory_space<vmem>>
    %dma_wait3A_294 = tpu.memref_slice %arg2[%dma_wait3A_289, %add3A_288] : memref<2x320000xi32, #tpu.memory_space<hbm>> -> memref<1x768xi32, #tpu.memory_space<hbm>>
    %dma_wait3A_295 = tpu.memref_squeeze %dma_wait3A_294 : memref<1x768xi32, #tpu.memory_space<hbm>> -> memref<768xi32, #tpu.memory_space<hbm>>
    %dma_wait3A_296 = arith.constant 0 : i32
    %dma_wait3A_297 = tpu.memref_slice %arg4[%dma_wait3A_290, %dma_wait3A_296] : memref<14x768xi32, #tpu.memory_space<vmem>> -> memref<1x768xi32, #tpu.memory_space<vmem>>
    %dma_wait3A_298 = tpu.memref_squeeze %dma_wait3A_297 : memref<1x768xi32, #tpu.memory_space<vmem>> -> memref<768xi32, #tpu.memory_space<vmem>>
    %dma_wait3A_299 = tpu.memref_slice %arg2[%dma_wait3A_289, %add3A_288] : memref<2x320000xi32, #tpu.memory_space<hbm>> -> memref<1x768xi32, #tpu.memory_space<hbm>>
    %dma_wait3A_300 = tpu.memref_squeeze %dma_wait3A_299 : memref<1x768xi32, #tpu.memory_space<hbm>> -> memref<768xi32, #tpu.memory_space<hbm>>
    tpu.wait_dma2 semaphore(%arg10 : memref<!tpu.dma_semaphore, #tpu.memory_space<semaphore_mem>>) src(%dma_wait3A_300 : memref<768xi32, #tpu.memory_space<hbm>>) dst(%dma_wait3A_298 : memref<768xi32, #tpu.memory_space<vmem>>)
    %add3A_301 = arith.constant 6144 : i32
    %add3A_302 = arith.addi %mul3A_8, %add3A_301 : i32
    %dma_wait3A_303 = arith.constant 1 : i32
    %dma_wait3A_304 = arith.constant 8 : i32
    %dma_wait3A_305 = arith.constant 0 : i32
    %dma_wait3A_306 = tpu.memref_slice %arg4[%dma_wait3A_304, %dma_wait3A_305] : memref<14x768xi32, #tpu.memory_space<vmem>> -> memref<1x768xi32, #tpu.memory_space<vmem>>
    %dma_wait3A_307 = tpu.memref_squeeze %dma_wait3A_306 : memref<1x768xi32, #tpu.memory_space<vmem>> -> memref<768xi32, #tpu.memory_space<vmem>>
    %dma_wait3A_308 = tpu.memref_slice %arg2[%dma_wait3A_303, %add3A_302] : memref<2x320000xi32, #tpu.memory_space<hbm>> -> memref<1x768xi32, #tpu.memory_space<hbm>>
    %dma_wait3A_309 = tpu.memref_squeeze %dma_wait3A_308 : memref<1x768xi32, #tpu.memory_space<hbm>> -> memref<768xi32, #tpu.memory_space<hbm>>
    %dma_wait3A_310 = arith.constant 0 : i32
    %dma_wait3A_311 = tpu.memref_slice %arg4[%dma_wait3A_304, %dma_wait3A_310] : memref<14x768xi32, #tpu.memory_space<vmem>> -> memref<1x768xi32, #tpu.memory_space<vmem>>
    %dma_wait3A_312 = tpu.memref_squeeze %dma_wait3A_311 : memref<1x768xi32, #tpu.memory_space<vmem>> -> memref<768xi32, #tpu.memory_space<vmem>>
    %dma_wait3A_313 = tpu.memref_slice %arg2[%dma_wait3A_303, %add3A_302] : memref<2x320000xi32, #tpu.memory_space<hbm>> -> memref<1x768xi32, #tpu.memory_space<hbm>>
    %dma_wait3A_314 = tpu.memref_squeeze %dma_wait3A_313 : memref<1x768xi32, #tpu.memory_space<hbm>> -> memref<768xi32, #tpu.memory_space<hbm>>
    tpu.wait_dma2 semaphore(%arg10 : memref<!tpu.dma_semaphore, #tpu.memory_space<semaphore_mem>>) src(%dma_wait3A_314 : memref<768xi32, #tpu.memory_space<hbm>>) dst(%dma_wait3A_312 : memref<768xi32, #tpu.memory_space<vmem>>)
    %add3A_315 = arith.constant 6912 : i32
    %add3A_316 = arith.addi %mul3A_8, %add3A_315 : i32
    %dma_wait3A_317 = arith.constant 1 : i32
    %dma_wait3A_318 = arith.constant 9 : i32
    %dma_wait3A_319 = arith.constant 0 : i32
    %dma_wait3A_320 = tpu.memref_slice %arg4[%dma_wait3A_318, %dma_wait3A_319] : memref<14x768xi32, #tpu.memory_space<vmem>> -> memref<1x768xi32, #tpu.memory_space<vmem>>
    %dma_wait3A_321 = tpu.memref_squeeze %dma_wait3A_320 : memref<1x768xi32, #tpu.memory_space<vmem>> -> memref<768xi32, #tpu.memory_space<vmem>>
    %dma_wait3A_322 = tpu.memref_slice %arg2[%dma_wait3A_317, %add3A_316] : memref<2x320000xi32, #tpu.memory_space<hbm>> -> memref<1x768xi32, #tpu.memory_space<hbm>>
    %dma_wait3A_323 = tpu.memref_squeeze %dma_wait3A_322 : memref<1x768xi32, #tpu.memory_space<hbm>> -> memref<768xi32, #tpu.memory_space<hbm>>
    %dma_wait3A_324 = arith.constant 0 : i32
    %dma_wait3A_325 = tpu.memref_slice %arg4[%dma_wait3A_318, %dma_wait3A_324] : memref<14x768xi32, #tpu.memory_space<vmem>> -> memref<1x768xi32, #tpu.memory_space<vmem>>
    %dma_wait3A_326 = tpu.memref_squeeze %dma_wait3A_325 : memref<1x768xi32, #tpu.memory_space<vmem>> -> memref<768xi32, #tpu.memory_space<vmem>>
    %dma_wait3A_327 = tpu.memref_slice %arg2[%dma_wait3A_317, %add3A_316] : memref<2x320000xi32, #tpu.memory_space<hbm>> -> memref<1x768xi32, #tpu.memory_space<hbm>>
    %dma_wait3A_328 = tpu.memref_squeeze %dma_wait3A_327 : memref<1x768xi32, #tpu.memory_space<hbm>> -> memref<768xi32, #tpu.memory_space<hbm>>
    tpu.wait_dma2 semaphore(%arg10 : memref<!tpu.dma_semaphore, #tpu.memory_space<semaphore_mem>>) src(%dma_wait3A_328 : memref<768xi32, #tpu.memory_space<hbm>>) dst(%dma_wait3A_326 : memref<768xi32, #tpu.memory_space<vmem>>)
    %add3A_329 = arith.constant 7680 : i32
    %add3A_330 = arith.addi %mul3A_8, %add3A_329 : i32
    %dma_wait3A_331 = arith.constant 1 : i32
    %dma_wait3A_332 = arith.constant 10 : i32
    %dma_wait3A_333 = arith.constant 0 : i32
    %dma_wait3A_334 = tpu.memref_slice %arg4[%dma_wait3A_332, %dma_wait3A_333] : memref<14x768xi32, #tpu.memory_space<vmem>> -> memref<1x768xi32, #tpu.memory_space<vmem>>
    %dma_wait3A_335 = tpu.memref_squeeze %dma_wait3A_334 : memref<1x768xi32, #tpu.memory_space<vmem>> -> memref<768xi32, #tpu.memory_space<vmem>>
    %dma_wait3A_336 = tpu.memref_slice %arg2[%dma_wait3A_331, %add3A_330] : memref<2x320000xi32, #tpu.memory_space<hbm>> -> memref<1x768xi32, #tpu.memory_space<hbm>>
    %dma_wait3A_337 = tpu.memref_squeeze %dma_wait3A_336 : memref<1x768xi32, #tpu.memory_space<hbm>> -> memref<768xi32, #tpu.memory_space<hbm>>
    %dma_wait3A_338 = arith.constant 0 : i32
    %dma_wait3A_339 = tpu.memref_slice %arg4[%dma_wait3A_332, %dma_wait3A_338] : memref<14x768xi32, #tpu.memory_space<vmem>> -> memref<1x768xi32, #tpu.memory_space<vmem>>
    %dma_wait3A_340 = tpu.memref_squeeze %dma_wait3A_339 : memref<1x768xi32, #tpu.memory_space<vmem>> -> memref<768xi32, #tpu.memory_space<vmem>>
    %dma_wait3A_341 = tpu.memref_slice %arg2[%dma_wait3A_331, %add3A_330] : memref<2x320000xi32, #tpu.memory_space<hbm>> -> memref<1x768xi32, #tpu.memory_space<hbm>>
    %dma_wait3A_342 = tpu.memref_squeeze %dma_wait3A_341 : memref<1x768xi32, #tpu.memory_space<hbm>> -> memref<768xi32, #tpu.memory_space<hbm>>
    tpu.wait_dma2 semaphore(%arg10 : memref<!tpu.dma_semaphore, #tpu.memory_space<semaphore_mem>>) src(%dma_wait3A_342 : memref<768xi32, #tpu.memory_space<hbm>>) dst(%dma_wait3A_340 : memref<768xi32, #tpu.memory_space<vmem>>)
    %add3A_343 = arith.constant 8448 : i32
    %add3A_344 = arith.addi %mul3A_8, %add3A_343 : i32
    %dma_wait3A_345 = arith.constant 1 : i32
    %dma_wait3A_346 = arith.constant 11 : i32
    %dma_wait3A_347 = arith.constant 0 : i32
    %dma_wait3A_348 = tpu.memref_slice %arg4[%dma_wait3A_346, %dma_wait3A_347] : memref<14x768xi32, #tpu.memory_space<vmem>> -> memref<1x768xi32, #tpu.memory_space<vmem>>
    %dma_wait3A_349 = tpu.memref_squeeze %dma_wait3A_348 : memref<1x768xi32, #tpu.memory_space<vmem>> -> memref<768xi32, #tpu.memory_space<vmem>>
    %dma_wait3A_350 = tpu.memref_slice %arg2[%dma_wait3A_345, %add3A_344] : memref<2x320000xi32, #tpu.memory_space<hbm>> -> memref<1x768xi32, #tpu.memory_space<hbm>>
    %dma_wait3A_351 = tpu.memref_squeeze %dma_wait3A_350 : memref<1x768xi32, #tpu.memory_space<hbm>> -> memref<768xi32, #tpu.memory_space<hbm>>
    %dma_wait3A_352 = arith.constant 0 : i32
    %dma_wait3A_353 = tpu.memref_slice %arg4[%dma_wait3A_346, %dma_wait3A_352] : memref<14x768xi32, #tpu.memory_space<vmem>> -> memref<1x768xi32, #tpu.memory_space<vmem>>
    %dma_wait3A_354 = tpu.memref_squeeze %dma_wait3A_353 : memref<1x768xi32, #tpu.memory_space<vmem>> -> memref<768xi32, #tpu.memory_space<vmem>>
    %dma_wait3A_355 = tpu.memref_slice %arg2[%dma_wait3A_345, %add3A_344] : memref<2x320000xi32, #tpu.memory_space<hbm>> -> memref<1x768xi32, #tpu.memory_space<hbm>>
    %dma_wait3A_356 = tpu.memref_squeeze %dma_wait3A_355 : memref<1x768xi32, #tpu.memory_space<hbm>> -> memref<768xi32, #tpu.memory_space<hbm>>
    tpu.wait_dma2 semaphore(%arg10 : memref<!tpu.dma_semaphore, #tpu.memory_space<semaphore_mem>>) src(%dma_wait3A_356 : memref<768xi32, #tpu.memory_space<hbm>>) dst(%dma_wait3A_354 : memref<768xi32, #tpu.memory_space<vmem>>)
    %add3A_357 = arith.constant 9216 : i32
    %add3A_358 = arith.addi %mul3A_8, %add3A_357 : i32
    %dma_wait3A_359 = arith.constant 1 : i32
    %dma_wait3A_360 = arith.constant 12 : i32
    %dma_wait3A_361 = arith.constant 0 : i32
    %dma_wait3A_362 = tpu.memref_slice %arg4[%dma_wait3A_360, %dma_wait3A_361] : memref<14x768xi32, #tpu.memory_space<vmem>> -> memref<1x768xi32, #tpu.memory_space<vmem>>
    %dma_wait3A_363 = tpu.memref_squeeze %dma_wait3A_362 : memref<1x768xi32, #tpu.memory_space<vmem>> -> memref<768xi32, #tpu.memory_space<vmem>>
    %dma_wait3A_364 = tpu.memref_slice %arg2[%dma_wait3A_359, %add3A_358] : memref<2x320000xi32, #tpu.memory_space<hbm>> -> memref<1x768xi32, #tpu.memory_space<hbm>>
    %dma_wait3A_365 = tpu.memref_squeeze %dma_wait3A_364 : memref<1x768xi32, #tpu.memory_space<hbm>> -> memref<768xi32, #tpu.memory_space<hbm>>
    %dma_wait3A_366 = arith.constant 0 : i32
    %dma_wait3A_367 = tpu.memref_slice %arg4[%dma_wait3A_360, %dma_wait3A_366] : memref<14x768xi32, #tpu.memory_space<vmem>> -> memref<1x768xi32, #tpu.memory_space<vmem>>
    %dma_wait3A_368 = tpu.memref_squeeze %dma_wait3A_367 : memref<1x768xi32, #tpu.memory_space<vmem>> -> memref<768xi32, #tpu.memory_space<vmem>>
    %dma_wait3A_369 = tpu.memref_slice %arg2[%dma_wait3A_359, %add3A_358] : memref<2x320000xi32, #tpu.memory_space<hbm>> -> memref<1x768xi32, #tpu.memory_space<hbm>>
    %dma_wait3A_370 = tpu.memref_squeeze %dma_wait3A_369 : memref<1x768xi32, #tpu.memory_space<hbm>> -> memref<768xi32, #tpu.memory_space<hbm>>
    tpu.wait_dma2 semaphore(%arg10 : memref<!tpu.dma_semaphore, #tpu.memory_space<semaphore_mem>>) src(%dma_wait3A_370 : memref<768xi32, #tpu.memory_space<hbm>>) dst(%dma_wait3A_368 : memref<768xi32, #tpu.memory_space<vmem>>)
    %lt3A_371 = arith.constant 4 : i32
    %lt3A_372 = arith.cmpi slt, %add3A, %lt3A_371 : i32
    %convert_element_type3A = arith.extui %lt3A_372 : i1 to i32
    %cond3A = arith.constant 0 : i32
    %cond3A_373 = arith.cmpi ne, %convert_element_type3A, %cond3A : i32
    scf.if %cond3A_373 {
      %add3A_786 = arith.constant 9984 : i32
      %add3A_787 = arith.addi %mul3A_8, %add3A_786 : i32
      %run_scoped3A = arith.constant 1 : i32
      %run_scoped3A_788 = arith.constant 13 : i32
      "tpu.region"() ({
        %run_scoped3A_789 = tpu.sem_alloc : memref<!tpu.dma_semaphore, #tpu.memory_space<semaphore_mem>>
        %dma_start3A_790 = arith.constant 0 : i32
        %dma_start3A_791 = tpu.memref_slice %arg4[%run_scoped3A_788, %dma_start3A_790] : memref<14x768xi32, #tpu.memory_space<vmem>> -> memref<1x128xi32, #tpu.memory_space<vmem>>
        %dma_start3A_792 = tpu.memref_squeeze %dma_start3A_791 : memref<1x128xi32, #tpu.memory_space<vmem>> -> memref<128xi32, #tpu.memory_space<vmem>>
        %dma_start3A_793 = tpu.memref_slice %arg2[%run_scoped3A, %add3A_787] : memref<2x320000xi32, #tpu.memory_space<hbm>> -> memref<1x128xi32, #tpu.memory_space<hbm>>
        %dma_start3A_794 = tpu.memref_squeeze %dma_start3A_793 : memref<1x128xi32, #tpu.memory_space<hbm>> -> memref<128xi32, #tpu.memory_space<hbm>>
        %dma_start3A_795 = arith.constant 0 : i32
        %dma_start3A_796 = tpu.memref_slice %arg4[%run_scoped3A_788, %dma_start3A_795] : memref<14x768xi32, #tpu.memory_space<vmem>> -> memref<1x128xi32, #tpu.memory_space<vmem>>
        %dma_start3A_797 = tpu.memref_squeeze %dma_start3A_796 : memref<1x128xi32, #tpu.memory_space<vmem>> -> memref<128xi32, #tpu.memory_space<vmem>>
        %dma_start3A_798 = tpu.memref_slice %arg2[%run_scoped3A, %add3A_787] : memref<2x320000xi32, #tpu.memory_space<hbm>> -> memref<1x128xi32, #tpu.memory_space<hbm>>
        %dma_start3A_799 = tpu.memref_squeeze %dma_start3A_798 : memref<1x128xi32, #tpu.memory_space<hbm>> -> memref<128xi32, #tpu.memory_space<hbm>>
        tpu.enqueue_dma source(%dma_start3A_799 : memref<128xi32, #tpu.memory_space<hbm>>) target(%dma_start3A_797 : memref<128xi32, #tpu.memory_space<vmem>>) target_semaphore(%run_scoped3A_789 : memref<!tpu.dma_semaphore, #tpu.memory_space<semaphore_mem>>)
        %dma_wait3A_800 = arith.constant 0 : i32
        %dma_wait3A_801 = tpu.memref_slice %arg4[%run_scoped3A_788, %dma_wait3A_800] : memref<14x768xi32, #tpu.memory_space<vmem>> -> memref<1x128xi32, #tpu.memory_space<vmem>>
        %dma_wait3A_802 = tpu.memref_squeeze %dma_wait3A_801 : memref<1x128xi32, #tpu.memory_space<vmem>> -> memref<128xi32, #tpu.memory_space<vmem>>
        %dma_wait3A_803 = tpu.memref_slice %arg2[%run_scoped3A, %add3A_787] : memref<2x320000xi32, #tpu.memory_space<hbm>> -> memref<1x128xi32, #tpu.memory_space<hbm>>
        %dma_wait3A_804 = tpu.memref_squeeze %dma_wait3A_803 : memref<1x128xi32, #tpu.memory_space<hbm>> -> memref<128xi32, #tpu.memory_space<hbm>>
        %dma_wait3A_805 = arith.constant 0 : i32
        %dma_wait3A_806 = tpu.memref_slice %arg4[%run_scoped3A_788, %dma_wait3A_805] : memref<14x768xi32, #tpu.memory_space<vmem>> -> memref<1x128xi32, #tpu.memory_space<vmem>>
        %dma_wait3A_807 = tpu.memref_squeeze %dma_wait3A_806 : memref<1x128xi32, #tpu.memory_space<vmem>> -> memref<128xi32, #tpu.memory_space<vmem>>
        %dma_wait3A_808 = tpu.memref_slice %arg2[%run_scoped3A, %add3A_787] : memref<2x320000xi32, #tpu.memory_space<hbm>> -> memref<1x128xi32, #tpu.memory_space<hbm>>
        %dma_wait3A_809 = tpu.memref_squeeze %dma_wait3A_808 : memref<1x128xi32, #tpu.memory_space<hbm>> -> memref<128xi32, #tpu.memory_space<hbm>>
        tpu.wait_dma2 semaphore(%run_scoped3A_789 : memref<!tpu.dma_semaphore, #tpu.memory_space<semaphore_mem>>) src(%dma_wait3A_809 : memref<128xi32, #tpu.memory_space<hbm>>) dst(%dma_wait3A_807 : memref<128xi32, #tpu.memory_space<vmem>>)
        tpu.yield
      }) : () -> ()
    } else {
    }
    %broadcast_in_dim3A = arith.constant 1.000000e+00 : f32
    %broadcast_in_dim3A_374 = vector.broadcast %broadcast_in_dim3A : f32 to vector<16xf32>
    %swap3A = arith.constant 0 : index
    %swap3A_375 = tpu.vector_load %arg5[%swap3A] {strides = array<i32>} : memref<768xf32, #tpu.memory_space<vmem>>, vector<16xf32>,
    tpu.vector_store %arg5[%swap3A], %broadcast_in_dim3A_374 {strides = array<i32>} : memref<768xf32, #tpu.memory_space<vmem>>, vector<16xf32>,
    %broadcast_in_dim3A_376 = arith.constant 1.000000e+00 : f32
    %broadcast_in_dim3A_377 = vector.broadcast %broadcast_in_dim3A_376 : f32 to vector<16xf32>
    %swap3A_378 = arith.constant 16 : index
    %swap3A_379 = tpu.vector_load %arg5[%swap3A_378] {strides = array<i32>} : memref<768xf32, #tpu.memory_space<vmem>>, vector<16xf32>,
    tpu.vector_store %arg5[%swap3A_378], %broadcast_in_dim3A_377 {strides = array<i32>} : memref<768xf32, #tpu.memory_space<vmem>>, vector<16xf32>,
    %broadcast_in_dim3A_380 = arith.constant 1.000000e+00 : f32
    %broadcast_in_dim3A_381 = vector.broadcast %broadcast_in_dim3A_380 : f32 to vector<16xf32>
    %swap3A_382 = arith.constant 32 : index
    %swap3A_383 = tpu.vector_load %arg5[%swap3A_382] {strides = array<i32>} : memref<768xf32, #tpu.memory_space<vmem>>, vector<16xf32>,
    tpu.vector_store %arg5[%swap3A_382], %broadcast_in_dim3A_381 {strides = array<i32>} : memref<768xf32, #tpu.memory_space<vmem>>, vector<16xf32>,
    %broadcast_in_dim3A_384 = arith.constant 1.000000e+00 : f32
    %broadcast_in_dim3A_385 = vector.broadcast %broadcast_in_dim3A_384 : f32 to vector<16xf32>
    %swap3A_386 = arith.constant 48 : index
    %swap3A_387 = tpu.vector_load %arg5[%swap3A_386] {strides = array<i32>} : memref<768xf32, #tpu.memory_space<vmem>>, vector<16xf32>,
    tpu.vector_store %arg5[%swap3A_386], %broadcast_in_dim3A_385 {strides = array<i32>} : memref<768xf32, #tpu.memory_space<vmem>>, vector<16xf32>,
    %broadcast_in_dim3A_388 = arith.constant 1.000000e+00 : f32
    %broadcast_in_dim3A_389 = vector.broadcast %broadcast_in_dim3A_388 : f32 to vector<16xf32>
    %swap3A_390 = arith.constant 64 : index
    %swap3A_391 = tpu.vector_load %arg5[%swap3A_390] {strides = array<i32>} : memref<768xf32, #tpu.memory_space<vmem>>, vector<16xf32>,
    tpu.vector_store %arg5[%swap3A_390], %broadcast_in_dim3A_389 {strides = array<i32>} : memref<768xf32, #tpu.memory_space<vmem>>, vector<16xf32>,
    %broadcast_in_dim3A_392 = arith.constant 1.000000e+00 : f32
    %broadcast_in_dim3A_393 = vector.broadcast %broadcast_in_dim3A_392 : f32 to vector<16xf32>
    %swap3A_394 = arith.constant 80 : index
    %swap3A_395 = tpu.vector_load %arg5[%swap3A_394] {strides = array<i32>} : memref<768xf32, #tpu.memory_space<vmem>>, vector<16xf32>,
    tpu.vector_store %arg5[%swap3A_394], %broadcast_in_dim3A_393 {strides = array<i32>} : memref<768xf32, #tpu.memory_space<vmem>>, vector<16xf32>,
    %broadcast_in_dim3A_396 = arith.constant 1.000000e+00 : f32
    %broadcast_in_dim3A_397 = vector.broadcast %broadcast_in_dim3A_396 : f32 to vector<16xf32>
    %swap3A_398 = arith.constant 96 : index
    %swap3A_399 = tpu.vector_load %arg5[%swap3A_398] {strides = array<i32>} : memref<768xf32, #tpu.memory_space<vmem>>, vector<16xf32>,
    tpu.vector_store %arg5[%swap3A_398], %broadcast_in_dim3A_397 {strides = array<i32>} : memref<768xf32, #tpu.memory_space<vmem>>, vector<16xf32>,
    %broadcast_in_dim3A_400 = arith.constant 1.000000e+00 : f32
    %broadcast_in_dim3A_401 = vector.broadcast %broadcast_in_dim3A_400 : f32 to vector<16xf32>
    %swap3A_402 = arith.constant 112 : index
    %swap3A_403 = tpu.vector_load %arg5[%swap3A_402] {strides = array<i32>} : memref<768xf32, #tpu.memory_space<vmem>>, vector<16xf32>,
    tpu.vector_store %arg5[%swap3A_402], %broadcast_in_dim3A_401 {strides = array<i32>} : memref<768xf32, #tpu.memory_space<vmem>>, vector<16xf32>,
    %broadcast_in_dim3A_404 = arith.constant 1.000000e+00 : f32
    %broadcast_in_dim3A_405 = vector.broadcast %broadcast_in_dim3A_404 : f32 to vector<16xf32>
    %swap3A_406 = arith.constant 128 : index
    %swap3A_407 = tpu.vector_load %arg5[%swap3A_406] {strides = array<i32>} : memref<768xf32, #tpu.memory_space<vmem>>, vector<16xf32>,
    tpu.vector_store %arg5[%swap3A_406], %broadcast_in_dim3A_405 {strides = array<i32>} : memref<768xf32, #tpu.memory_space<vmem>>, vector<16xf32>,
    %broadcast_in_dim3A_408 = arith.constant 1.000000e+00 : f32
    %broadcast_in_dim3A_409 = vector.broadcast %broadcast_in_dim3A_408 : f32 to vector<16xf32>
    %swap3A_410 = arith.constant 144 : index
    %swap3A_411 = tpu.vector_load %arg5[%swap3A_410] {strides = array<i32>} : memref<768xf32, #tpu.memory_space<vmem>>, vector<16xf32>,
    tpu.vector_store %arg5[%swap3A_410], %broadcast_in_dim3A_409 {strides = array<i32>} : memref<768xf32, #tpu.memory_space<vmem>>, vector<16xf32>,
    %broadcast_in_dim3A_412 = arith.constant 1.000000e+00 : f32
    %broadcast_in_dim3A_413 = vector.broadcast %broadcast_in_dim3A_412 : f32 to vector<16xf32>
    %swap3A_414 = arith.constant 160 : index
    %swap3A_415 = tpu.vector_load %arg5[%swap3A_414] {strides = array<i32>} : memref<768xf32, #tpu.memory_space<vmem>>, vector<16xf32>,
    tpu.vector_store %arg5[%swap3A_414], %broadcast_in_dim3A_413 {strides = array<i32>} : memref<768xf32, #tpu.memory_space<vmem>>, vector<16xf32>,
    %broadcast_in_dim3A_416 = arith.constant 1.000000e+00 : f32
    %broadcast_in_dim3A_417 = vector.broadcast %broadcast_in_dim3A_416 : f32 to vector<16xf32>
    %swap3A_418 = arith.constant 176 : index
    %swap3A_419 = tpu.vector_load %arg5[%swap3A_418] {strides = array<i32>} : memref<768xf32, #tpu.memory_space<vmem>>, vector<16xf32>,
    tpu.vector_store %arg5[%swap3A_418], %broadcast_in_dim3A_417 {strides = array<i32>} : memref<768xf32, #tpu.memory_space<vmem>>, vector<16xf32>,
    %broadcast_in_dim3A_420 = arith.constant 1.000000e+00 : f32
    %broadcast_in_dim3A_421 = vector.broadcast %broadcast_in_dim3A_420 : f32 to vector<16xf32>
    %swap3A_422 = arith.constant 192 : index
    %swap3A_423 = tpu.vector_load %arg5[%swap3A_422] {strides = array<i32>} : memref<768xf32, #tpu.memory_space<vmem>>, vector<16xf32>,
    tpu.vector_store %arg5[%swap3A_422], %broadcast_in_dim3A_421 {strides = array<i32>} : memref<768xf32, #tpu.memory_space<vmem>>, vector<16xf32>,
    %broadcast_in_dim3A_424 = arith.constant 1.000000e+00 : f32
    %broadcast_in_dim3A_425 = vector.broadcast %broadcast_in_dim3A_424 : f32 to vector<16xf32>
    %swap3A_426 = arith.constant 208 : index
    %swap3A_427 = tpu.vector_load %arg5[%swap3A_426] {strides = array<i32>} : memref<768xf32, #tpu.memory_space<vmem>>, vector<16xf32>,
    tpu.vector_store %arg5[%swap3A_426], %broadcast_in_dim3A_425 {strides = array<i32>} : memref<768xf32, #tpu.memory_space<vmem>>, vector<16xf32>,
    %broadcast_in_dim3A_428 = arith.constant 1.000000e+00 : f32
    %broadcast_in_dim3A_429 = vector.broadcast %broadcast_in_dim3A_428 : f32 to vector<16xf32>
    %swap3A_430 = arith.constant 224 : index
    %swap3A_431 = tpu.vector_load %arg5[%swap3A_430] {strides = array<i32>} : memref<768xf32, #tpu.memory_space<vmem>>, vector<16xf32>,
    tpu.vector_store %arg5[%swap3A_430], %broadcast_in_dim3A_429 {strides = array<i32>} : memref<768xf32, #tpu.memory_space<vmem>>, vector<16xf32>,
    %broadcast_in_dim3A_432 = arith.constant 1.000000e+00 : f32
    %broadcast_in_dim3A_433 = vector.broadcast %broadcast_in_dim3A_432 : f32 to vector<16xf32>
    %swap3A_434 = arith.constant 240 : index
    %swap3A_435 = tpu.vector_load %arg5[%swap3A_434] {strides = array<i32>} : memref<768xf32, #tpu.memory_space<vmem>>, vector<16xf32>,
    tpu.vector_store %arg5[%swap3A_434], %broadcast_in_dim3A_433 {strides = array<i32>} : memref<768xf32, #tpu.memory_space<vmem>>, vector<16xf32>,
    %broadcast_in_dim3A_436 = arith.constant 1.000000e+00 : f32
    %broadcast_in_dim3A_437 = vector.broadcast %broadcast_in_dim3A_436 : f32 to vector<16xf32>
    %swap3A_438 = arith.constant 256 : index
    %swap3A_439 = tpu.vector_load %arg5[%swap3A_438] {strides = array<i32>} : memref<768xf32, #tpu.memory_space<vmem>>, vector<16xf32>,
    tpu.vector_store %arg5[%swap3A_438], %broadcast_in_dim3A_437 {strides = array<i32>} : memref<768xf32, #tpu.memory_space<vmem>>, vector<16xf32>,
    %broadcast_in_dim3A_440 = arith.constant 1.000000e+00 : f32
    %broadcast_in_dim3A_441 = vector.broadcast %broadcast_in_dim3A_440 : f32 to vector<16xf32>
    %swap3A_442 = arith.constant 272 : index
    %swap3A_443 = tpu.vector_load %arg5[%swap3A_442] {strides = array<i32>} : memref<768xf32, #tpu.memory_space<vmem>>, vector<16xf32>,
    tpu.vector_store %arg5[%swap3A_442], %broadcast_in_dim3A_441 {strides = array<i32>} : memref<768xf32, #tpu.memory_space<vmem>>, vector<16xf32>,
    %broadcast_in_dim3A_444 = arith.constant 1.000000e+00 : f32
    %broadcast_in_dim3A_445 = vector.broadcast %broadcast_in_dim3A_444 : f32 to vector<16xf32>
    %swap3A_446 = arith.constant 288 : index
    %swap3A_447 = tpu.vector_load %arg5[%swap3A_446] {strides = array<i32>} : memref<768xf32, #tpu.memory_space<vmem>>, vector<16xf32>,
    tpu.vector_store %arg5[%swap3A_446], %broadcast_in_dim3A_445 {strides = array<i32>} : memref<768xf32, #tpu.memory_space<vmem>>, vector<16xf32>,
    %broadcast_in_dim3A_448 = arith.constant 1.000000e+00 : f32
    %broadcast_in_dim3A_449 = vector.broadcast %broadcast_in_dim3A_448 : f32 to vector<16xf32>
    %swap3A_450 = arith.constant 304 : index
    %swap3A_451 = tpu.vector_load %arg5[%swap3A_450] {strides = array<i32>} : memref<768xf32, #tpu.memory_space<vmem>>, vector<16xf32>,
    tpu.vector_store %arg5[%swap3A_450], %broadcast_in_dim3A_449 {strides = array<i32>} : memref<768xf32, #tpu.memory_space<vmem>>, vector<16xf32>,
    %broadcast_in_dim3A_452 = arith.constant 1.000000e+00 : f32
    %broadcast_in_dim3A_453 = vector.broadcast %broadcast_in_dim3A_452 : f32 to vector<16xf32>
    %swap3A_454 = arith.constant 320 : index
    %swap3A_455 = tpu.vector_load %arg5[%swap3A_454] {strides = array<i32>} : memref<768xf32, #tpu.memory_space<vmem>>, vector<16xf32>,
    tpu.vector_store %arg5[%swap3A_454], %broadcast_in_dim3A_453 {strides = array<i32>} : memref<768xf32, #tpu.memory_space<vmem>>, vector<16xf32>,
    %broadcast_in_dim3A_456 = arith.constant 1.000000e+00 : f32
    %broadcast_in_dim3A_457 = vector.broadcast %broadcast_in_dim3A_456 : f32 to vector<16xf32>
    %swap3A_458 = arith.constant 336 : index
    %swap3A_459 = tpu.vector_load %arg5[%swap3A_458] {strides = array<i32>} : memref<768xf32, #tpu.memory_space<vmem>>, vector<16xf32>,
    tpu.vector_store %arg5[%swap3A_458], %broadcast_in_dim3A_457 {strides = array<i32>} : memref<768xf32, #tpu.memory_space<vmem>>, vector<16xf32>,
    %broadcast_in_dim3A_460 = arith.constant 1.000000e+00 : f32
    %broadcast_in_dim3A_461 = vector.broadcast %broadcast_in_dim3A_460 : f32 to vector<16xf32>
    %swap3A_462 = arith.constant 352 : index
    %swap3A_463 = tpu.vector_load %arg5[%swap3A_462] {strides = array<i32>} : memref<768xf32, #tpu.memory_space<vmem>>, vector<16xf32>,
    tpu.vector_store %arg5[%swap3A_462], %broadcast_in_dim3A_461 {strides = array<i32>} : memref<768xf32, #tpu.memory_space<vmem>>, vector<16xf32>,
    %broadcast_in_dim3A_464 = arith.constant 1.000000e+00 : f32
    %broadcast_in_dim3A_465 = vector.broadcast %broadcast_in_dim3A_464 : f32 to vector<16xf32>
    %swap3A_466 = arith.constant 368 : index
    %swap3A_467 = tpu.vector_load %arg5[%swap3A_466] {strides = array<i32>} : memref<768xf32, #tpu.memory_space<vmem>>, vector<16xf32>,
    tpu.vector_store %arg5[%swap3A_466], %broadcast_in_dim3A_465 {strides = array<i32>} : memref<768xf32, #tpu.memory_space<vmem>>, vector<16xf32>,
    %broadcast_in_dim3A_468 = arith.constant 1.000000e+00 : f32
    %broadcast_in_dim3A_469 = vector.broadcast %broadcast_in_dim3A_468 : f32 to vector<16xf32>
    %swap3A_470 = arith.constant 384 : index
    %swap3A_471 = tpu.vector_load %arg5[%swap3A_470] {strides = array<i32>} : memref<768xf32, #tpu.memory_space<vmem>>, vector<16xf32>,
    tpu.vector_store %arg5[%swap3A_470], %broadcast_in_dim3A_469 {strides = array<i32>} : memref<768xf32, #tpu.memory_space<vmem>>, vector<16xf32>,
    %broadcast_in_dim3A_472 = arith.constant 1.000000e+00 : f32
    %broadcast_in_dim3A_473 = vector.broadcast %broadcast_in_dim3A_472 : f32 to vector<16xf32>
    %swap3A_474 = arith.constant 400 : index
    %swap3A_475 = tpu.vector_load %arg5[%swap3A_474] {strides = array<i32>} : memref<768xf32, #tpu.memory_space<vmem>>, vector<16xf32>,
    tpu.vector_store %arg5[%swap3A_474], %broadcast_in_dim3A_473 {strides = array<i32>} : memref<768xf32, #tpu.memory_space<vmem>>, vector<16xf32>,
    %broadcast_in_dim3A_476 = arith.constant 1.000000e+00 : f32
    %broadcast_in_dim3A_477 = vector.broadcast %broadcast_in_dim3A_476 : f32 to vector<16xf32>
    %swap3A_478 = arith.constant 416 : index
    %swap3A_479 = tpu.vector_load %arg5[%swap3A_478] {strides = array<i32>} : memref<768xf32, #tpu.memory_space<vmem>>, vector<16xf32>,
    tpu.vector_store %arg5[%swap3A_478], %broadcast_in_dim3A_477 {strides = array<i32>} : memref<768xf32, #tpu.memory_space<vmem>>, vector<16xf32>,
    %broadcast_in_dim3A_480 = arith.constant 1.000000e+00 : f32
    %broadcast_in_dim3A_481 = vector.broadcast %broadcast_in_dim3A_480 : f32 to vector<16xf32>
    %swap3A_482 = arith.constant 432 : index
    %swap3A_483 = tpu.vector_load %arg5[%swap3A_482] {strides = array<i32>} : memref<768xf32, #tpu.memory_space<vmem>>, vector<16xf32>,
    tpu.vector_store %arg5[%swap3A_482], %broadcast_in_dim3A_481 {strides = array<i32>} : memref<768xf32, #tpu.memory_space<vmem>>, vector<16xf32>,
    %broadcast_in_dim3A_484 = arith.constant 1.000000e+00 : f32
    %broadcast_in_dim3A_485 = vector.broadcast %broadcast_in_dim3A_484 : f32 to vector<16xf32>
    %swap3A_486 = arith.constant 448 : index
    %swap3A_487 = tpu.vector_load %arg5[%swap3A_486] {strides = array<i32>} : memref<768xf32, #tpu.memory_space<vmem>>, vector<16xf32>,
    tpu.vector_store %arg5[%swap3A_486], %broadcast_in_dim3A_485 {strides = array<i32>} : memref<768xf32, #tpu.memory_space<vmem>>, vector<16xf32>,
    %broadcast_in_dim3A_488 = arith.constant 1.000000e+00 : f32
    %broadcast_in_dim3A_489 = vector.broadcast %broadcast_in_dim3A_488 : f32 to vector<16xf32>
    %swap3A_490 = arith.constant 464 : index
    %swap3A_491 = tpu.vector_load %arg5[%swap3A_490] {strides = array<i32>} : memref<768xf32, #tpu.memory_space<vmem>>, vector<16xf32>,
    tpu.vector_store %arg5[%swap3A_490], %broadcast_in_dim3A_489 {strides = array<i32>} : memref<768xf32, #tpu.memory_space<vmem>>, vector<16xf32>,
    %broadcast_in_dim3A_492 = arith.constant 1.000000e+00 : f32
    %broadcast_in_dim3A_493 = vector.broadcast %broadcast_in_dim3A_492 : f32 to vector<16xf32>
    %swap3A_494 = arith.constant 480 : index
    %swap3A_495 = tpu.vector_load %arg5[%swap3A_494] {strides = array<i32>} : memref<768xf32, #tpu.memory_space<vmem>>, vector<16xf32>,
    tpu.vector_store %arg5[%swap3A_494], %broadcast_in_dim3A_493 {strides = array<i32>} : memref<768xf32, #tpu.memory_space<vmem>>, vector<16xf32>,
    %broadcast_in_dim3A_496 = arith.constant 1.000000e+00 : f32
    %broadcast_in_dim3A_497 = vector.broadcast %broadcast_in_dim3A_496 : f32 to vector<16xf32>
    %swap3A_498 = arith.constant 496 : index
    %swap3A_499 = tpu.vector_load %arg5[%swap3A_498] {strides = array<i32>} : memref<768xf32, #tpu.memory_space<vmem>>, vector<16xf32>,
    tpu.vector_store %arg5[%swap3A_498], %broadcast_in_dim3A_497 {strides = array<i32>} : memref<768xf32, #tpu.memory_space<vmem>>, vector<16xf32>,
    %broadcast_in_dim3A_500 = arith.constant 1.000000e+00 : f32
    %broadcast_in_dim3A_501 = vector.broadcast %broadcast_in_dim3A_500 : f32 to vector<16xf32>
    %swap3A_502 = arith.constant 512 : index
    %swap3A_503 = tpu.vector_load %arg5[%swap3A_502] {strides = array<i32>} : memref<768xf32, #tpu.memory_space<vmem>>, vector<16xf32>,
    tpu.vector_store %arg5[%swap3A_502], %broadcast_in_dim3A_501 {strides = array<i32>} : memref<768xf32, #tpu.memory_space<vmem>>, vector<16xf32>,
    %broadcast_in_dim3A_504 = arith.constant 1.000000e+00 : f32
    %broadcast_in_dim3A_505 = vector.broadcast %broadcast_in_dim3A_504 : f32 to vector<16xf32>
    %swap3A_506 = arith.constant 528 : index
    %swap3A_507 = tpu.vector_load %arg5[%swap3A_506] {strides = array<i32>} : memref<768xf32, #tpu.memory_space<vmem>>, vector<16xf32>,
    tpu.vector_store %arg5[%swap3A_506], %broadcast_in_dim3A_505 {strides = array<i32>} : memref<768xf32, #tpu.memory_space<vmem>>, vector<16xf32>,
    %broadcast_in_dim3A_508 = arith.constant 1.000000e+00 : f32
    %broadcast_in_dim3A_509 = vector.broadcast %broadcast_in_dim3A_508 : f32 to vector<16xf32>
    %swap3A_510 = arith.constant 544 : index
    %swap3A_511 = tpu.vector_load %arg5[%swap3A_510] {strides = array<i32>} : memref<768xf32, #tpu.memory_space<vmem>>, vector<16xf32>,
    tpu.vector_store %arg5[%swap3A_510], %broadcast_in_dim3A_509 {strides = array<i32>} : memref<768xf32, #tpu.memory_space<vmem>>, vector<16xf32>,
    %broadcast_in_dim3A_512 = arith.constant 1.000000e+00 : f32
    %broadcast_in_dim3A_513 = vector.broadcast %broadcast_in_dim3A_512 : f32 to vector<16xf32>
    %swap3A_514 = arith.constant 560 : index
    %swap3A_515 = tpu.vector_load %arg5[%swap3A_514] {strides = array<i32>} : memref<768xf32, #tpu.memory_space<vmem>>, vector<16xf32>,
    tpu.vector_store %arg5[%swap3A_514], %broadcast_in_dim3A_513 {strides = array<i32>} : memref<768xf32, #tpu.memory_space<vmem>>, vector<16xf32>,
    %broadcast_in_dim3A_516 = arith.constant 1.000000e+00 : f32
    %broadcast_in_dim3A_517 = vector.broadcast %broadcast_in_dim3A_516 : f32 to vector<16xf32>
    %swap3A_518 = arith.constant 576 : index
    %swap3A_519 = tpu.vector_load %arg5[%swap3A_518] {strides = array<i32>} : memref<768xf32, #tpu.memory_space<vmem>>, vector<16xf32>,
    tpu.vector_store %arg5[%swap3A_518], %broadcast_in_dim3A_517 {strides = array<i32>} : memref<768xf32, #tpu.memory_space<vmem>>, vector<16xf32>,
    %broadcast_in_dim3A_520 = arith.constant 1.000000e+00 : f32
    %broadcast_in_dim3A_521 = vector.broadcast %broadcast_in_dim3A_520 : f32 to vector<16xf32>
    %swap3A_522 = arith.constant 592 : index
    %swap3A_523 = tpu.vector_load %arg5[%swap3A_522] {strides = array<i32>} : memref<768xf32, #tpu.memory_space<vmem>>, vector<16xf32>,
    tpu.vector_store %arg5[%swap3A_522], %broadcast_in_dim3A_521 {strides = array<i32>} : memref<768xf32, #tpu.memory_space<vmem>>, vector<16xf32>,
    %broadcast_in_dim3A_524 = arith.constant 1.000000e+00 : f32
    %broadcast_in_dim3A_525 = vector.broadcast %broadcast_in_dim3A_524 : f32 to vector<16xf32>
    %swap3A_526 = arith.constant 608 : index
    %swap3A_527 = tpu.vector_load %arg5[%swap3A_526] {strides = array<i32>} : memref<768xf32, #tpu.memory_space<vmem>>, vector<16xf32>,
    tpu.vector_store %arg5[%swap3A_526], %broadcast_in_dim3A_525 {strides = array<i32>} : memref<768xf32, #tpu.memory_space<vmem>>, vector<16xf32>,
    %broadcast_in_dim3A_528 = arith.constant 1.000000e+00 : f32
    %broadcast_in_dim3A_529 = vector.broadcast %broadcast_in_dim3A_528 : f32 to vector<16xf32>
    %swap3A_530 = arith.constant 624 : index
    %swap3A_531 = tpu.vector_load %arg5[%swap3A_530] {strides = array<i32>} : memref<768xf32, #tpu.memory_space<vmem>>, vector<16xf32>,
    tpu.vector_store %arg5[%swap3A_530], %broadcast_in_dim3A_529 {strides = array<i32>} : memref<768xf32, #tpu.memory_space<vmem>>, vector<16xf32>,
    %broadcast_in_dim3A_532 = arith.constant 1.000000e+00 : f32
    %broadcast_in_dim3A_533 = vector.broadcast %broadcast_in_dim3A_532 : f32 to vector<16xf32>
    %swap3A_534 = arith.constant 640 : index
    %swap3A_535 = tpu.vector_load %arg5[%swap3A_534] {strides = array<i32>} : memref<768xf32, #tpu.memory_space<vmem>>, vector<16xf32>,
    tpu.vector_store %arg5[%swap3A_534], %broadcast_in_dim3A_533 {strides = array<i32>} : memref<768xf32, #tpu.memory_space<vmem>>, vector<16xf32>,
    %broadcast_in_dim3A_536 = arith.constant 1.000000e+00 : f32
    %broadcast_in_dim3A_537 = vector.broadcast %broadcast_in_dim3A_536 : f32 to vector<16xf32>
    %swap3A_538 = arith.constant 656 : index
    %swap3A_539 = tpu.vector_load %arg5[%swap3A_538] {strides = array<i32>} : memref<768xf32, #tpu.memory_space<vmem>>, vector<16xf32>,
    tpu.vector_store %arg5[%swap3A_538], %broadcast_in_dim3A_537 {strides = array<i32>} : memref<768xf32, #tpu.memory_space<vmem>>, vector<16xf32>,
    %broadcast_in_dim3A_540 = arith.constant 1.000000e+00 : f32
    %broadcast_in_dim3A_541 = vector.broadcast %broadcast_in_dim3A_540 : f32 to vector<16xf32>
    %swap3A_542 = arith.constant 672 : index
    %swap3A_543 = tpu.vector_load %arg5[%swap3A_542] {strides = array<i32>} : memref<768xf32, #tpu.memory_space<vmem>>, vector<16xf32>,
    tpu.vector_store %arg5[%swap3A_542], %broadcast_in_dim3A_541 {strides = array<i32>} : memref<768xf32, #tpu.memory_space<vmem>>, vector<16xf32>,
    %broadcast_in_dim3A_544 = arith.constant 1.000000e+00 : f32
    %broadcast_in_dim3A_545 = vector.broadcast %broadcast_in_dim3A_544 : f32 to vector<16xf32>
    %swap3A_546 = arith.constant 688 : index
    %swap3A_547 = tpu.vector_load %arg5[%swap3A_546] {strides = array<i32>} : memref<768xf32, #tpu.memory_space<vmem>>, vector<16xf32>,
    tpu.vector_store %arg5[%swap3A_546], %broadcast_in_dim3A_545 {strides = array<i32>} : memref<768xf32, #tpu.memory_space<vmem>>, vector<16xf32>,
    %broadcast_in_dim3A_548 = arith.constant 1.000000e+00 : f32
    %broadcast_in_dim3A_549 = vector.broadcast %broadcast_in_dim3A_548 : f32 to vector<16xf32>
    %swap3A_550 = arith.constant 704 : index
    %swap3A_551 = tpu.vector_load %arg5[%swap3A_550] {strides = array<i32>} : memref<768xf32, #tpu.memory_space<vmem>>, vector<16xf32>,
    tpu.vector_store %arg5[%swap3A_550], %broadcast_in_dim3A_549 {strides = array<i32>} : memref<768xf32, #tpu.memory_space<vmem>>, vector<16xf32>,
    %broadcast_in_dim3A_552 = arith.constant 1.000000e+00 : f32
    %broadcast_in_dim3A_553 = vector.broadcast %broadcast_in_dim3A_552 : f32 to vector<16xf32>
    %swap3A_554 = arith.constant 720 : index
    %swap3A_555 = tpu.vector_load %arg5[%swap3A_554] {strides = array<i32>} : memref<768xf32, #tpu.memory_space<vmem>>, vector<16xf32>,
    tpu.vector_store %arg5[%swap3A_554], %broadcast_in_dim3A_553 {strides = array<i32>} : memref<768xf32, #tpu.memory_space<vmem>>, vector<16xf32>,
    %broadcast_in_dim3A_556 = arith.constant 1.000000e+00 : f32
    %broadcast_in_dim3A_557 = vector.broadcast %broadcast_in_dim3A_556 : f32 to vector<16xf32>
    %swap3A_558 = arith.constant 736 : index
    %swap3A_559 = tpu.vector_load %arg5[%swap3A_558] {strides = array<i32>} : memref<768xf32, #tpu.memory_space<vmem>>, vector<16xf32>,
    tpu.vector_store %arg5[%swap3A_558], %broadcast_in_dim3A_557 {strides = array<i32>} : memref<768xf32, #tpu.memory_space<vmem>>, vector<16xf32>,
    %broadcast_in_dim3A_560 = arith.constant 1.000000e+00 : f32
    %broadcast_in_dim3A_561 = vector.broadcast %broadcast_in_dim3A_560 : f32 to vector<16xf32>
    %swap3A_562 = arith.constant 752 : index
    %swap3A_563 = tpu.vector_load %arg5[%swap3A_562] {strides = array<i32>} : memref<768xf32, #tpu.memory_space<vmem>>, vector<16xf32>,
    tpu.vector_store %arg5[%swap3A_562], %broadcast_in_dim3A_561 {strides = array<i32>} : memref<768xf32, #tpu.memory_space<vmem>>, vector<16xf32>,
    %broadcast_in_dim3A_564 = arith.constant 0.000000e+00 : f32
    %broadcast_in_dim3A_565 = vector.broadcast %broadcast_in_dim3A_564 : f32 to vector<16xf32>
    %swap3A_566 = arith.constant 0 : index
    %swap3A_567 = tpu.vector_load %arg6[%swap3A_566] {strides = array<i32>} : memref<128xf32, #tpu.memory_space<vmem>>, vector<16xf32>,
    tpu.vector_store %arg6[%swap3A_566], %broadcast_in_dim3A_565 {strides = array<i32>} : memref<128xf32, #tpu.memory_space<vmem>>, vector<16xf32>,
    %broadcast_in_dim3A_568 = arith.constant 0.000000e+00 : f32
    %broadcast_in_dim3A_569 = vector.broadcast %broadcast_in_dim3A_568 : f32 to vector<16xf32>
    %swap3A_570 = arith.constant 16 : index
    %swap3A_571 = tpu.vector_load %arg6[%swap3A_570] {strides = array<i32>} : memref<128xf32, #tpu.memory_space<vmem>>, vector<16xf32>,
    tpu.vector_store %arg6[%swap3A_570], %broadcast_in_dim3A_569 {strides = array<i32>} : memref<128xf32, #tpu.memory_space<vmem>>, vector<16xf32>,
    %broadcast_in_dim3A_572 = arith.constant 0.000000e+00 : f32
    %broadcast_in_dim3A_573 = vector.broadcast %broadcast_in_dim3A_572 : f32 to vector<16xf32>
    %swap3A_574 = arith.constant 32 : index
    %swap3A_575 = tpu.vector_load %arg6[%swap3A_574] {strides = array<i32>} : memref<128xf32, #tpu.memory_space<vmem>>, vector<16xf32>,
    tpu.vector_store %arg6[%swap3A_574], %broadcast_in_dim3A_573 {strides = array<i32>} : memref<128xf32, #tpu.memory_space<vmem>>, vector<16xf32>,
    %broadcast_in_dim3A_576 = arith.constant 0.000000e+00 : f32
    %broadcast_in_dim3A_577 = vector.broadcast %broadcast_in_dim3A_576 : f32 to vector<16xf32>
    %swap3A_578 = arith.constant 48 : index
    %swap3A_579 = tpu.vector_load %arg6[%swap3A_578] {strides = array<i32>} : memref<128xf32, #tpu.memory_space<vmem>>, vector<16xf32>,
    tpu.vector_store %arg6[%swap3A_578], %broadcast_in_dim3A_577 {strides = array<i32>} : memref<128xf32, #tpu.memory_space<vmem>>, vector<16xf32>,
    %broadcast_in_dim3A_580 = arith.constant 0.000000e+00 : f32
    %broadcast_in_dim3A_581 = vector.broadcast %broadcast_in_dim3A_580 : f32 to vector<16xf32>
    %swap3A_582 = arith.constant 64 : index
    %swap3A_583 = tpu.vector_load %arg6[%swap3A_582] {strides = array<i32>} : memref<128xf32, #tpu.memory_space<vmem>>, vector<16xf32>,
    tpu.vector_store %arg6[%swap3A_582], %broadcast_in_dim3A_581 {strides = array<i32>} : memref<128xf32, #tpu.memory_space<vmem>>, vector<16xf32>,
    %broadcast_in_dim3A_584 = arith.constant 0.000000e+00 : f32
    %broadcast_in_dim3A_585 = vector.broadcast %broadcast_in_dim3A_584 : f32 to vector<16xf32>
    %swap3A_586 = arith.constant 80 : index
    %swap3A_587 = tpu.vector_load %arg6[%swap3A_586] {strides = array<i32>} : memref<128xf32, #tpu.memory_space<vmem>>, vector<16xf32>,
    tpu.vector_store %arg6[%swap3A_586], %broadcast_in_dim3A_585 {strides = array<i32>} : memref<128xf32, #tpu.memory_space<vmem>>, vector<16xf32>,
    %broadcast_in_dim3A_588 = arith.constant 0.000000e+00 : f32
    %broadcast_in_dim3A_589 = vector.broadcast %broadcast_in_dim3A_588 : f32 to vector<16xf32>
    %swap3A_590 = arith.constant 96 : index
    %swap3A_591 = tpu.vector_load %arg6[%swap3A_590] {strides = array<i32>} : memref<128xf32, #tpu.memory_space<vmem>>, vector<16xf32>,
    tpu.vector_store %arg6[%swap3A_590], %broadcast_in_dim3A_589 {strides = array<i32>} : memref<128xf32, #tpu.memory_space<vmem>>, vector<16xf32>,
    %broadcast_in_dim3A_592 = arith.constant 0.000000e+00 : f32
    %broadcast_in_dim3A_593 = vector.broadcast %broadcast_in_dim3A_592 : f32 to vector<16xf32>
    %swap3A_594 = arith.constant 112 : index
    %swap3A_595 = tpu.vector_load %arg6[%swap3A_594] {strides = array<i32>} : memref<128xf32, #tpu.memory_space<vmem>>, vector<16xf32>,
    tpu.vector_store %arg6[%swap3A_594], %broadcast_in_dim3A_593 {strides = array<i32>} : memref<128xf32, #tpu.memory_space<vmem>>, vector<16xf32>,
    %mul3A_596 = arith.constant 640 : i32
    %mul3A_597 = arith.muli %arg1, %mul3A_596 : i32
    %add3A_598 = arith.constant 0 : i32
    %add3A_599 = arith.addi %mul3A_597, %add3A_598 : i32
    "tpu.region"() ({
      %run_scoped3A = tpu.sem_alloc : memref<!tpu.dma_semaphore, #tpu.memory_space<semaphore_mem>>
      %dma_start3A_786 = tpu.memref_slice %arg9[%add3A_599] : memref<10240xf32, #tpu.memory_space<vmem_shared>> -> memref<128xf32, #tpu.memory_space<vmem_shared>>
      %dma_start3A_787 = tpu.memref_slice %arg9[%add3A_599] : memref<10240xf32, #tpu.memory_space<vmem_shared>> -> memref<128xf32, #tpu.memory_space<vmem_shared>>
      tpu.enqueue_dma source(%arg6 : memref<128xf32, #tpu.memory_space<vmem>>) target(%dma_start3A_787 : memref<128xf32, #tpu.memory_space<vmem_shared>>) target_semaphore(%run_scoped3A : memref<!tpu.dma_semaphore, #tpu.memory_space<semaphore_mem>>)
      %dma_wait3A_788 = tpu.memref_slice %arg9[%add3A_599] : memref<10240xf32, #tpu.memory_space<vmem_shared>> -> memref<128xf32, #tpu.memory_space<vmem_shared>>
      %dma_wait3A_789 = tpu.memref_slice %arg9[%add3A_599] : memref<10240xf32, #tpu.memory_space<vmem_shared>> -> memref<128xf32, #tpu.memory_space<vmem_shared>>
      tpu.wait_dma2 semaphore(%run_scoped3A : memref<!tpu.dma_semaphore, #tpu.memory_space<semaphore_mem>>) src(%arg6 : memref<128xf32, #tpu.memory_space<vmem>>) dst(%dma_wait3A_789 : memref<128xf32, #tpu.memory_space<vmem_shared>>)
      tpu.yield
    }) : () -> ()
    %mul3A_600 = arith.constant 640 : i32
    %mul3A_601 = arith.muli %arg1, %mul3A_600 : i32
    %add3A_602 = arith.constant 128 : i32
    %add3A_603 = arith.addi %mul3A_601, %add3A_602 : i32
    "tpu.region"() ({
      %run_scoped3A = tpu.sem_alloc : memref<!tpu.dma_semaphore, #tpu.memory_space<semaphore_mem>>
      %dma_start3A_786 = tpu.memref_slice %arg9[%add3A_603] : memref<10240xf32, #tpu.memory_space<vmem_shared>> -> memref<128xf32, #tpu.memory_space<vmem_shared>>
      %dma_start3A_787 = tpu.memref_slice %arg9[%add3A_603] : memref<10240xf32, #tpu.memory_space<vmem_shared>> -> memref<128xf32, #tpu.memory_space<vmem_shared>>
      tpu.enqueue_dma source(%arg6 : memref<128xf32, #tpu.memory_space<vmem>>) target(%dma_start3A_787 : memref<128xf32, #tpu.memory_space<vmem_shared>>) target_semaphore(%run_scoped3A : memref<!tpu.dma_semaphore, #tpu.memory_space<semaphore_mem>>)
      %dma_wait3A_788 = tpu.memref_slice %arg9[%add3A_603] : memref<10240xf32, #tpu.memory_space<vmem_shared>> -> memref<128xf32, #tpu.memory_space<vmem_shared>>
      %dma_wait3A_789 = tpu.memref_slice %arg9[%add3A_603] : memref<10240xf32, #tpu.memory_space<vmem_shared>> -> memref<128xf32, #tpu.memory_space<vmem_shared>>
      tpu.wait_dma2 semaphore(%run_scoped3A : memref<!tpu.dma_semaphore, #tpu.memory_space<semaphore_mem>>) src(%arg6 : memref<128xf32, #tpu.memory_space<vmem>>) dst(%dma_wait3A_789 : memref<128xf32, #tpu.memory_space<vmem_shared>>)
      tpu.yield
    }) : () -> ()
    %mul3A_604 = arith.constant 640 : i32
    %mul3A_605 = arith.muli %arg1, %mul3A_604 : i32
    %add3A_606 = arith.constant 256 : i32
    %add3A_607 = arith.addi %mul3A_605, %add3A_606 : i32
    "tpu.region"() ({
      %run_scoped3A = tpu.sem_alloc : memref<!tpu.dma_semaphore, #tpu.memory_space<semaphore_mem>>
      %dma_start3A_786 = tpu.memref_slice %arg9[%add3A_607] : memref<10240xf32, #tpu.memory_space<vmem_shared>> -> memref<128xf32, #tpu.memory_space<vmem_shared>>
      %dma_start3A_787 = tpu.memref_slice %arg9[%add3A_607] : memref<10240xf32, #tpu.memory_space<vmem_shared>> -> memref<128xf32, #tpu.memory_space<vmem_shared>>
      tpu.enqueue_dma source(%arg6 : memref<128xf32, #tpu.memory_space<vmem>>) target(%dma_start3A_787 : memref<128xf32, #tpu.memory_space<vmem_shared>>) target_semaphore(%run_scoped3A : memref<!tpu.dma_semaphore, #tpu.memory_space<semaphore_mem>>)
      %dma_wait3A_788 = tpu.memref_slice %arg9[%add3A_607] : memref<10240xf32, #tpu.memory_space<vmem_shared>> -> memref<128xf32, #tpu.memory_space<vmem_shared>>
      %dma_wait3A_789 = tpu.memref_slice %arg9[%add3A_607] : memref<10240xf32, #tpu.memory_space<vmem_shared>> -> memref<128xf32, #tpu.memory_space<vmem_shared>>
      tpu.wait_dma2 semaphore(%run_scoped3A : memref<!tpu.dma_semaphore, #tpu.memory_space<semaphore_mem>>) src(%arg6 : memref<128xf32, #tpu.memory_space<vmem>>) dst(%dma_wait3A_789 : memref<128xf32, #tpu.memory_space<vmem_shared>>)
      tpu.yield
    }) : () -> ()
    %mul3A_608 = arith.constant 640 : i32
    %mul3A_609 = arith.muli %arg1, %mul3A_608 : i32
    %add3A_610 = arith.constant 384 : i32
    %add3A_611 = arith.addi %mul3A_609, %add3A_610 : i32
    "tpu.region"() ({
      %run_scoped3A = tpu.sem_alloc : memref<!tpu.dma_semaphore, #tpu.memory_space<semaphore_mem>>
      %dma_start3A_786 = tpu.memref_slice %arg9[%add3A_611] : memref<10240xf32, #tpu.memory_space<vmem_shared>> -> memref<128xf32, #tpu.memory_space<vmem_shared>>
      %dma_start3A_787 = tpu.memref_slice %arg9[%add3A_611] : memref<10240xf32, #tpu.memory_space<vmem_shared>> -> memref<128xf32, #tpu.memory_space<vmem_shared>>
      tpu.enqueue_dma source(%arg6 : memref<128xf32, #tpu.memory_space<vmem>>) target(%dma_start3A_787 : memref<128xf32, #tpu.memory_space<vmem_shared>>) target_semaphore(%run_scoped3A : memref<!tpu.dma_semaphore, #tpu.memory_space<semaphore_mem>>)
      %dma_wait3A_788 = tpu.memref_slice %arg9[%add3A_611] : memref<10240xf32, #tpu.memory_space<vmem_shared>> -> memref<128xf32, #tpu.memory_space<vmem_shared>>
      %dma_wait3A_789 = tpu.memref_slice %arg9[%add3A_611] : memref<10240xf32, #tpu.memory_space<vmem_shared>> -> memref<128xf32, #tpu.memory_space<vmem_shared>>
      tpu.wait_dma2 semaphore(%run_scoped3A : memref<!tpu.dma_semaphore, #tpu.memory_space<semaphore_mem>>) src(%arg6 : memref<128xf32, #tpu.memory_space<vmem>>) dst(%dma_wait3A_789 : memref<128xf32, #tpu.memory_space<vmem_shared>>)
      tpu.yield
    }) : () -> ()
    %mul3A_612 = arith.constant 640 : i32
    %mul3A_613 = arith.muli %arg1, %mul3A_612 : i32
    %add3A_614 = arith.constant 512 : i32
    %add3A_615 = arith.addi %mul3A_613, %add3A_614 : i32
    "tpu.region"() ({
      %run_scoped3A = tpu.sem_alloc : memref<!tpu.dma_semaphore, #tpu.memory_space<semaphore_mem>>
      %dma_start3A_786 = tpu.memref_slice %arg9[%add3A_615] : memref<10240xf32, #tpu.memory_space<vmem_shared>> -> memref<128xf32, #tpu.memory_space<vmem_shared>>
      %dma_start3A_787 = tpu.memref_slice %arg9[%add3A_615] : memref<10240xf32, #tpu.memory_space<vmem_shared>> -> memref<128xf32, #tpu.memory_space<vmem_shared>>
      tpu.enqueue_dma source(%arg6 : memref<128xf32, #tpu.memory_space<vmem>>) target(%dma_start3A_787 : memref<128xf32, #tpu.memory_space<vmem_shared>>) target_semaphore(%run_scoped3A : memref<!tpu.dma_semaphore, #tpu.memory_space<semaphore_mem>>)
      %dma_wait3A_788 = tpu.memref_slice %arg9[%add3A_615] : memref<10240xf32, #tpu.memory_space<vmem_shared>> -> memref<128xf32, #tpu.memory_space<vmem_shared>>
      %dma_wait3A_789 = tpu.memref_slice %arg9[%add3A_615] : memref<10240xf32, #tpu.memory_space<vmem_shared>> -> memref<128xf32, #tpu.memory_space<vmem_shared>>
      tpu.wait_dma2 semaphore(%run_scoped3A : memref<!tpu.dma_semaphore, #tpu.memory_space<semaphore_mem>>) src(%arg6 : memref<128xf32, #tpu.memory_space<vmem>>) dst(%dma_wait3A_789 : memref<128xf32, #tpu.memory_space<vmem_shared>>)
      tpu.yield
    }) : () -> ()
    %barrier3A = arith.constant 0 : index
    tpu.barrier barrier_id(%barrier3A)
    %dma_start3A_616 = arith.constant 0 : i32
    %dma_start3A_617 = arith.constant 0 : i32
    %dma_start3A_618 = tpu.memref_slice %arg4[%dma_start3A_616, %dma_start3A_617] : memref<14x768xi32, #tpu.memory_space<vmem>> -> memref<1x768xi32, #tpu.memory_space<vmem>>
    %dma_start3A_619 = tpu.memref_squeeze %dma_start3A_618 : memref<1x768xi32, #tpu.memory_space<vmem>> -> memref<768xi32, #tpu.memory_space<vmem>>
    %dma_start3A_620 = arith.constant 0 : i32
    %dma_start3A_621 = tpu.memref_slice %arg9[%dma_start3A_620] : memref<10240xf32, #tpu.memory_space<vmem_shared>> -> memref<10240xf32, #tpu.memory_space<vmem_shared>>
    tpu.enqueue_indirect_dma source(%arg5 : memref<768xf32, #tpu.memory_space<vmem>>) target(%dma_start3A_621 : memref<10240xf32, #tpu.memory_space<vmem_shared>>) offsets(%dma_start3A_619 : memref<768xi32, #tpu.memory_space<vmem>>) semaphore(%arg10 : memref<!tpu.dma_semaphore, #tpu.memory_space<semaphore_mem>>) {add = true}
    %dma_start3A_622 = arith.constant 1 : i32
    %dma_start3A_623 = arith.constant 0 : i32
    %dma_start3A_624 = tpu.memref_slice %arg4[%dma_start3A_622, %dma_start3A_623] : memref<14x768xi32, #tpu.memory_space<vmem>> -> memref<1x768xi32, #tpu.memory_space<vmem>>
    %dma_start3A_625 = tpu.memref_squeeze %dma_start3A_624 : memref<1x768xi32, #tpu.memory_space<vmem>> -> memref<768xi32, #tpu.memory_space<vmem>>
    %dma_start3A_626 = arith.constant 0 : i32
    %dma_start3A_627 = tpu.memref_slice %arg9[%dma_start3A_626] : memref<10240xf32, #tpu.memory_space<vmem_shared>> -> memref<10240xf32, #tpu.memory_space<vmem_shared>>
    tpu.enqueue_indirect_dma source(%arg5 : memref<768xf32, #tpu.memory_space<vmem>>) target(%dma_start3A_627 : memref<10240xf32, #tpu.memory_space<vmem_shared>>) offsets(%dma_start3A_625 : memref<768xi32, #tpu.memory_space<vmem>>) semaphore(%arg10 : memref<!tpu.dma_semaphore, #tpu.memory_space<semaphore_mem>>) {add = true}
    %dma_start3A_628 = arith.constant 2 : i32
    %dma_start3A_629 = arith.constant 0 : i32
    %dma_start3A_630 = tpu.memref_slice %arg4[%dma_start3A_628, %dma_start3A_629] : memref<14x768xi32, #tpu.memory_space<vmem>> -> memref<1x768xi32, #tpu.memory_space<vmem>>
    %dma_start3A_631 = tpu.memref_squeeze %dma_start3A_630 : memref<1x768xi32, #tpu.memory_space<vmem>> -> memref<768xi32, #tpu.memory_space<vmem>>
    %dma_start3A_632 = arith.constant 0 : i32
    %dma_start3A_633 = tpu.memref_slice %arg9[%dma_start3A_632] : memref<10240xf32, #tpu.memory_space<vmem_shared>> -> memref<10240xf32, #tpu.memory_space<vmem_shared>>
    tpu.enqueue_indirect_dma source(%arg5 : memref<768xf32, #tpu.memory_space<vmem>>) target(%dma_start3A_633 : memref<10240xf32, #tpu.memory_space<vmem_shared>>) offsets(%dma_start3A_631 : memref<768xi32, #tpu.memory_space<vmem>>) semaphore(%arg10 : memref<!tpu.dma_semaphore, #tpu.memory_space<semaphore_mem>>) {add = true}
    %dma_start3A_634 = arith.constant 3 : i32
    %dma_start3A_635 = arith.constant 0 : i32
    %dma_start3A_636 = tpu.memref_slice %arg4[%dma_start3A_634, %dma_start3A_635] : memref<14x768xi32, #tpu.memory_space<vmem>> -> memref<1x768xi32, #tpu.memory_space<vmem>>
    %dma_start3A_637 = tpu.memref_squeeze %dma_start3A_636 : memref<1x768xi32, #tpu.memory_space<vmem>> -> memref<768xi32, #tpu.memory_space<vmem>>
    %dma_start3A_638 = arith.constant 0 : i32
    %dma_start3A_639 = tpu.memref_slice %arg9[%dma_start3A_638] : memref<10240xf32, #tpu.memory_space<vmem_shared>> -> memref<10240xf32, #tpu.memory_space<vmem_shared>>
    tpu.enqueue_indirect_dma source(%arg5 : memref<768xf32, #tpu.memory_space<vmem>>) target(%dma_start3A_639 : memref<10240xf32, #tpu.memory_space<vmem_shared>>) offsets(%dma_start3A_637 : memref<768xi32, #tpu.memory_space<vmem>>) semaphore(%arg10 : memref<!tpu.dma_semaphore, #tpu.memory_space<semaphore_mem>>) {add = true}
    %dma_start3A_640 = arith.constant 4 : i32
    %dma_start3A_641 = arith.constant 0 : i32
    %dma_start3A_642 = tpu.memref_slice %arg4[%dma_start3A_640, %dma_start3A_641] : memref<14x768xi32, #tpu.memory_space<vmem>> -> memref<1x768xi32, #tpu.memory_space<vmem>>
    %dma_start3A_643 = tpu.memref_squeeze %dma_start3A_642 : memref<1x768xi32, #tpu.memory_space<vmem>> -> memref<768xi32, #tpu.memory_space<vmem>>
    %dma_start3A_644 = arith.constant 0 : i32
    %dma_start3A_645 = tpu.memref_slice %arg9[%dma_start3A_644] : memref<10240xf32, #tpu.memory_space<vmem_shared>> -> memref<10240xf32, #tpu.memory_space<vmem_shared>>
    tpu.enqueue_indirect_dma source(%arg5 : memref<768xf32, #tpu.memory_space<vmem>>) target(%dma_start3A_645 : memref<10240xf32, #tpu.memory_space<vmem_shared>>) offsets(%dma_start3A_643 : memref<768xi32, #tpu.memory_space<vmem>>) semaphore(%arg10 : memref<!tpu.dma_semaphore, #tpu.memory_space<semaphore_mem>>) {add = true}
    %dma_start3A_646 = arith.constant 5 : i32
    %dma_start3A_647 = arith.constant 0 : i32
    %dma_start3A_648 = tpu.memref_slice %arg4[%dma_start3A_646, %dma_start3A_647] : memref<14x768xi32, #tpu.memory_space<vmem>> -> memref<1x768xi32, #tpu.memory_space<vmem>>
    %dma_start3A_649 = tpu.memref_squeeze %dma_start3A_648 : memref<1x768xi32, #tpu.memory_space<vmem>> -> memref<768xi32, #tpu.memory_space<vmem>>
    %dma_start3A_650 = arith.constant 0 : i32
    %dma_start3A_651 = tpu.memref_slice %arg9[%dma_start3A_650] : memref<10240xf32, #tpu.memory_space<vmem_shared>> -> memref<10240xf32, #tpu.memory_space<vmem_shared>>
    tpu.enqueue_indirect_dma source(%arg5 : memref<768xf32, #tpu.memory_space<vmem>>) target(%dma_start3A_651 : memref<10240xf32, #tpu.memory_space<vmem_shared>>) offsets(%dma_start3A_649 : memref<768xi32, #tpu.memory_space<vmem>>) semaphore(%arg10 : memref<!tpu.dma_semaphore, #tpu.memory_space<semaphore_mem>>) {add = true}
    %dma_start3A_652 = arith.constant 6 : i32
    %dma_start3A_653 = arith.constant 0 : i32
    %dma_start3A_654 = tpu.memref_slice %arg4[%dma_start3A_652, %dma_start3A_653] : memref<14x768xi32, #tpu.memory_space<vmem>> -> memref<1x768xi32, #tpu.memory_space<vmem>>
    %dma_start3A_655 = tpu.memref_squeeze %dma_start3A_654 : memref<1x768xi32, #tpu.memory_space<vmem>> -> memref<768xi32, #tpu.memory_space<vmem>>
    %dma_start3A_656 = arith.constant 0 : i32
    %dma_start3A_657 = tpu.memref_slice %arg9[%dma_start3A_656] : memref<10240xf32, #tpu.memory_space<vmem_shared>> -> memref<10240xf32, #tpu.memory_space<vmem_shared>>
    tpu.enqueue_indirect_dma source(%arg5 : memref<768xf32, #tpu.memory_space<vmem>>) target(%dma_start3A_657 : memref<10240xf32, #tpu.memory_space<vmem_shared>>) offsets(%dma_start3A_655 : memref<768xi32, #tpu.memory_space<vmem>>) semaphore(%arg10 : memref<!tpu.dma_semaphore, #tpu.memory_space<semaphore_mem>>) {add = true}
    %dma_start3A_658 = arith.constant 7 : i32
    %dma_start3A_659 = arith.constant 0 : i32
    %dma_start3A_660 = tpu.memref_slice %arg4[%dma_start3A_658, %dma_start3A_659] : memref<14x768xi32, #tpu.memory_space<vmem>> -> memref<1x768xi32, #tpu.memory_space<vmem>>
    %dma_start3A_661 = tpu.memref_squeeze %dma_start3A_660 : memref<1x768xi32, #tpu.memory_space<vmem>> -> memref<768xi32, #tpu.memory_space<vmem>>
    %dma_start3A_662 = arith.constant 0 : i32
    %dma_start3A_663 = tpu.memref_slice %arg9[%dma_start3A_662] : memref<10240xf32, #tpu.memory_space<vmem_shared>> -> memref<10240xf32, #tpu.memory_space<vmem_shared>>
    tpu.enqueue_indirect_dma source(%arg5 : memref<768xf32, #tpu.memory_space<vmem>>) target(%dma_start3A_663 : memref<10240xf32, #tpu.memory_space<vmem_shared>>) offsets(%dma_start3A_661 : memref<768xi32, #tpu.memory_space<vmem>>) semaphore(%arg10 : memref<!tpu.dma_semaphore, #tpu.memory_space<semaphore_mem>>) {add = true}
    %dma_start3A_664 = arith.constant 8 : i32
    %dma_start3A_665 = arith.constant 0 : i32
    %dma_start3A_666 = tpu.memref_slice %arg4[%dma_start3A_664, %dma_start3A_665] : memref<14x768xi32, #tpu.memory_space<vmem>> -> memref<1x768xi32, #tpu.memory_space<vmem>>
    %dma_start3A_667 = tpu.memref_squeeze %dma_start3A_666 : memref<1x768xi32, #tpu.memory_space<vmem>> -> memref<768xi32, #tpu.memory_space<vmem>>
    %dma_start3A_668 = arith.constant 0 : i32
    %dma_start3A_669 = tpu.memref_slice %arg9[%dma_start3A_668] : memref<10240xf32, #tpu.memory_space<vmem_shared>> -> memref<10240xf32, #tpu.memory_space<vmem_shared>>
    tpu.enqueue_indirect_dma source(%arg5 : memref<768xf32, #tpu.memory_space<vmem>>) target(%dma_start3A_669 : memref<10240xf32, #tpu.memory_space<vmem_shared>>) offsets(%dma_start3A_667 : memref<768xi32, #tpu.memory_space<vmem>>) semaphore(%arg10 : memref<!tpu.dma_semaphore, #tpu.memory_space<semaphore_mem>>) {add = true}
    %dma_start3A_670 = arith.constant 9 : i32
    %dma_start3A_671 = arith.constant 0 : i32
    %dma_start3A_672 = tpu.memref_slice %arg4[%dma_start3A_670, %dma_start3A_671] : memref<14x768xi32, #tpu.memory_space<vmem>> -> memref<1x768xi32, #tpu.memory_space<vmem>>
    %dma_start3A_673 = tpu.memref_squeeze %dma_start3A_672 : memref<1x768xi32, #tpu.memory_space<vmem>> -> memref<768xi32, #tpu.memory_space<vmem>>
    %dma_start3A_674 = arith.constant 0 : i32
    %dma_start3A_675 = tpu.memref_slice %arg9[%dma_start3A_674] : memref<10240xf32, #tpu.memory_space<vmem_shared>> -> memref<10240xf32, #tpu.memory_space<vmem_shared>>
    tpu.enqueue_indirect_dma source(%arg5 : memref<768xf32, #tpu.memory_space<vmem>>) target(%dma_start3A_675 : memref<10240xf32, #tpu.memory_space<vmem_shared>>) offsets(%dma_start3A_673 : memref<768xi32, #tpu.memory_space<vmem>>) semaphore(%arg10 : memref<!tpu.dma_semaphore, #tpu.memory_space<semaphore_mem>>) {add = true}
    %dma_start3A_676 = arith.constant 10 : i32
    %dma_start3A_677 = arith.constant 0 : i32
    %dma_start3A_678 = tpu.memref_slice %arg4[%dma_start3A_676, %dma_start3A_677] : memref<14x768xi32, #tpu.memory_space<vmem>> -> memref<1x768xi32, #tpu.memory_space<vmem>>
    %dma_start3A_679 = tpu.memref_squeeze %dma_start3A_678 : memref<1x768xi32, #tpu.memory_space<vmem>> -> memref<768xi32, #tpu.memory_space<vmem>>
    %dma_start3A_680 = arith.constant 0 : i32
    %dma_start3A_681 = tpu.memref_slice %arg9[%dma_start3A_680] : memref<10240xf32, #tpu.memory_space<vmem_shared>> -> memref<10240xf32, #tpu.memory_space<vmem_shared>>
    tpu.enqueue_indirect_dma source(%arg5 : memref<768xf32, #tpu.memory_space<vmem>>) target(%dma_start3A_681 : memref<10240xf32, #tpu.memory_space<vmem_shared>>) offsets(%dma_start3A_679 : memref<768xi32, #tpu.memory_space<vmem>>) semaphore(%arg10 : memref<!tpu.dma_semaphore, #tpu.memory_space<semaphore_mem>>) {add = true}
    %dma_start3A_682 = arith.constant 11 : i32
    %dma_start3A_683 = arith.constant 0 : i32
    %dma_start3A_684 = tpu.memref_slice %arg4[%dma_start3A_682, %dma_start3A_683] : memref<14x768xi32, #tpu.memory_space<vmem>> -> memref<1x768xi32, #tpu.memory_space<vmem>>
    %dma_start3A_685 = tpu.memref_squeeze %dma_start3A_684 : memref<1x768xi32, #tpu.memory_space<vmem>> -> memref<768xi32, #tpu.memory_space<vmem>>
    %dma_start3A_686 = arith.constant 0 : i32
    %dma_start3A_687 = tpu.memref_slice %arg9[%dma_start3A_686] : memref<10240xf32, #tpu.memory_space<vmem_shared>> -> memref<10240xf32, #tpu.memory_space<vmem_shared>>
    tpu.enqueue_indirect_dma source(%arg5 : memref<768xf32, #tpu.memory_space<vmem>>) target(%dma_start3A_687 : memref<10240xf32, #tpu.memory_space<vmem_shared>>) offsets(%dma_start3A_685 : memref<768xi32, #tpu.memory_space<vmem>>) semaphore(%arg10 : memref<!tpu.dma_semaphore, #tpu.memory_space<semaphore_mem>>) {add = true}
    %dma_start3A_688 = arith.constant 12 : i32
    %dma_start3A_689 = arith.constant 0 : i32
    %dma_start3A_690 = tpu.memref_slice %arg4[%dma_start3A_688, %dma_start3A_689] : memref<14x768xi32, #tpu.memory_space<vmem>> -> memref<1x768xi32, #tpu.memory_space<vmem>>
    %dma_start3A_691 = tpu.memref_squeeze %dma_start3A_690 : memref<1x768xi32, #tpu.memory_space<vmem>> -> memref<768xi32, #tpu.memory_space<vmem>>
    %dma_start3A_692 = arith.constant 0 : i32
    %dma_start3A_693 = tpu.memref_slice %arg9[%dma_start3A_692] : memref<10240xf32, #tpu.memory_space<vmem_shared>> -> memref<10240xf32, #tpu.memory_space<vmem_shared>>
    tpu.enqueue_indirect_dma source(%arg5 : memref<768xf32, #tpu.memory_space<vmem>>) target(%dma_start3A_693 : memref<10240xf32, #tpu.memory_space<vmem_shared>>) offsets(%dma_start3A_691 : memref<768xi32, #tpu.memory_space<vmem>>) semaphore(%arg10 : memref<!tpu.dma_semaphore, #tpu.memory_space<semaphore_mem>>) {add = true}
    %dma_wait3A_694 = arith.constant 0 : i32
    %dma_wait3A_695 = arith.constant 0 : i32
    %dma_wait3A_696 = tpu.memref_slice %arg4[%dma_wait3A_694, %dma_wait3A_695] : memref<14x768xi32, #tpu.memory_space<vmem>> -> memref<1x768xi32, #tpu.memory_space<vmem>>
    %dma_wait3A_697 = tpu.memref_squeeze %dma_wait3A_696 : memref<1x768xi32, #tpu.memory_space<vmem>> -> memref<768xi32, #tpu.memory_space<vmem>>
    %dma_wait3A_698 = arith.constant 0 : i32
    %dma_wait3A_699 = tpu.memref_slice %arg9[%dma_wait3A_698] : memref<10240xf32, #tpu.memory_space<vmem_shared>> -> memref<10240xf32, #tpu.memory_space<vmem_shared>>
    tpu.wait_indirect_dma semaphore(%arg10 : memref<!tpu.dma_semaphore, #tpu.memory_space<semaphore_mem>>) src(%arg5 : memref<768xf32, #tpu.memory_space<vmem>>) dst(%dma_wait3A_699 : memref<10240xf32, #tpu.memory_space<vmem_shared>>)
    %dma_wait3A_700 = arith.constant 1 : i32
    %dma_wait3A_701 = arith.constant 0 : i32
    %dma_wait3A_702 = tpu.memref_slice %arg4[%dma_wait3A_700, %dma_wait3A_701] : memref<14x768xi32, #tpu.memory_space<vmem>> -> memref<1x768xi32, #tpu.memory_space<vmem>>
    %dma_wait3A_703 = tpu.memref_squeeze %dma_wait3A_702 : memref<1x768xi32, #tpu.memory_space<vmem>> -> memref<768xi32, #tpu.memory_space<vmem>>
    %dma_wait3A_704 = arith.constant 0 : i32
    %dma_wait3A_705 = tpu.memref_slice %arg9[%dma_wait3A_704] : memref<10240xf32, #tpu.memory_space<vmem_shared>> -> memref<10240xf32, #tpu.memory_space<vmem_shared>>
    tpu.wait_indirect_dma semaphore(%arg10 : memref<!tpu.dma_semaphore, #tpu.memory_space<semaphore_mem>>) src(%arg5 : memref<768xf32, #tpu.memory_space<vmem>>) dst(%dma_wait3A_705 : memref<10240xf32, #tpu.memory_space<vmem_shared>>)
    %dma_wait3A_706 = arith.constant 2 : i32
    %dma_wait3A_707 = arith.constant 0 : i32
    %dma_wait3A_708 = tpu.memref_slice %arg4[%dma_wait3A_706, %dma_wait3A_707] : memref<14x768xi32, #tpu.memory_space<vmem>> -> memref<1x768xi32, #tpu.memory_space<vmem>>
    %dma_wait3A_709 = tpu.memref_squeeze %dma_wait3A_708 : memref<1x768xi32, #tpu.memory_space<vmem>> -> memref<768xi32, #tpu.memory_space<vmem>>
    %dma_wait3A_710 = arith.constant 0 : i32
    %dma_wait3A_711 = tpu.memref_slice %arg9[%dma_wait3A_710] : memref<10240xf32, #tpu.memory_space<vmem_shared>> -> memref<10240xf32, #tpu.memory_space<vmem_shared>>
    tpu.wait_indirect_dma semaphore(%arg10 : memref<!tpu.dma_semaphore, #tpu.memory_space<semaphore_mem>>) src(%arg5 : memref<768xf32, #tpu.memory_space<vmem>>) dst(%dma_wait3A_711 : memref<10240xf32, #tpu.memory_space<vmem_shared>>)
    %dma_wait3A_712 = arith.constant 3 : i32
    %dma_wait3A_713 = arith.constant 0 : i32
    %dma_wait3A_714 = tpu.memref_slice %arg4[%dma_wait3A_712, %dma_wait3A_713] : memref<14x768xi32, #tpu.memory_space<vmem>> -> memref<1x768xi32, #tpu.memory_space<vmem>>
    %dma_wait3A_715 = tpu.memref_squeeze %dma_wait3A_714 : memref<1x768xi32, #tpu.memory_space<vmem>> -> memref<768xi32, #tpu.memory_space<vmem>>
    %dma_wait3A_716 = arith.constant 0 : i32
    %dma_wait3A_717 = tpu.memref_slice %arg9[%dma_wait3A_716] : memref<10240xf32, #tpu.memory_space<vmem_shared>> -> memref<10240xf32, #tpu.memory_space<vmem_shared>>
    tpu.wait_indirect_dma semaphore(%arg10 : memref<!tpu.dma_semaphore, #tpu.memory_space<semaphore_mem>>) src(%arg5 : memref<768xf32, #tpu.memory_space<vmem>>) dst(%dma_wait3A_717 : memref<10240xf32, #tpu.memory_space<vmem_shared>>)
    %dma_wait3A_718 = arith.constant 4 : i32
    %dma_wait3A_719 = arith.constant 0 : i32
    %dma_wait3A_720 = tpu.memref_slice %arg4[%dma_wait3A_718, %dma_wait3A_719] : memref<14x768xi32, #tpu.memory_space<vmem>> -> memref<1x768xi32, #tpu.memory_space<vmem>>
    %dma_wait3A_721 = tpu.memref_squeeze %dma_wait3A_720 : memref<1x768xi32, #tpu.memory_space<vmem>> -> memref<768xi32, #tpu.memory_space<vmem>>
    %dma_wait3A_722 = arith.constant 0 : i32
    %dma_wait3A_723 = tpu.memref_slice %arg9[%dma_wait3A_722] : memref<10240xf32, #tpu.memory_space<vmem_shared>> -> memref<10240xf32, #tpu.memory_space<vmem_shared>>
    tpu.wait_indirect_dma semaphore(%arg10 : memref<!tpu.dma_semaphore, #tpu.memory_space<semaphore_mem>>) src(%arg5 : memref<768xf32, #tpu.memory_space<vmem>>) dst(%dma_wait3A_723 : memref<10240xf32, #tpu.memory_space<vmem_shared>>)
    %dma_wait3A_724 = arith.constant 5 : i32
    %dma_wait3A_725 = arith.constant 0 : i32
    %dma_wait3A_726 = tpu.memref_slice %arg4[%dma_wait3A_724, %dma_wait3A_725] : memref<14x768xi32, #tpu.memory_space<vmem>> -> memref<1x768xi32, #tpu.memory_space<vmem>>
    %dma_wait3A_727 = tpu.memref_squeeze %dma_wait3A_726 : memref<1x768xi32, #tpu.memory_space<vmem>> -> memref<768xi32, #tpu.memory_space<vmem>>
    %dma_wait3A_728 = arith.constant 0 : i32
    %dma_wait3A_729 = tpu.memref_slice %arg9[%dma_wait3A_728] : memref<10240xf32, #tpu.memory_space<vmem_shared>> -> memref<10240xf32, #tpu.memory_space<vmem_shared>>
    tpu.wait_indirect_dma semaphore(%arg10 : memref<!tpu.dma_semaphore, #tpu.memory_space<semaphore_mem>>) src(%arg5 : memref<768xf32, #tpu.memory_space<vmem>>) dst(%dma_wait3A_729 : memref<10240xf32, #tpu.memory_space<vmem_shared>>)
    %dma_wait3A_730 = arith.constant 6 : i32
    %dma_wait3A_731 = arith.constant 0 : i32
    %dma_wait3A_732 = tpu.memref_slice %arg4[%dma_wait3A_730, %dma_wait3A_731] : memref<14x768xi32, #tpu.memory_space<vmem>> -> memref<1x768xi32, #tpu.memory_space<vmem>>
    %dma_wait3A_733 = tpu.memref_squeeze %dma_wait3A_732 : memref<1x768xi32, #tpu.memory_space<vmem>> -> memref<768xi32, #tpu.memory_space<vmem>>
    %dma_wait3A_734 = arith.constant 0 : i32
    %dma_wait3A_735 = tpu.memref_slice %arg9[%dma_wait3A_734] : memref<10240xf32, #tpu.memory_space<vmem_shared>> -> memref<10240xf32, #tpu.memory_space<vmem_shared>>
    tpu.wait_indirect_dma semaphore(%arg10 : memref<!tpu.dma_semaphore, #tpu.memory_space<semaphore_mem>>) src(%arg5 : memref<768xf32, #tpu.memory_space<vmem>>) dst(%dma_wait3A_735 : memref<10240xf32, #tpu.memory_space<vmem_shared>>)
    %dma_wait3A_736 = arith.constant 7 : i32
    %dma_wait3A_737 = arith.constant 0 : i32
    %dma_wait3A_738 = tpu.memref_slice %arg4[%dma_wait3A_736, %dma_wait3A_737] : memref<14x768xi32, #tpu.memory_space<vmem>> -> memref<1x768xi32, #tpu.memory_space<vmem>>
    %dma_wait3A_739 = tpu.memref_squeeze %dma_wait3A_738 : memref<1x768xi32, #tpu.memory_space<vmem>> -> memref<768xi32, #tpu.memory_space<vmem>>
    %dma_wait3A_740 = arith.constant 0 : i32
    %dma_wait3A_741 = tpu.memref_slice %arg9[%dma_wait3A_740] : memref<10240xf32, #tpu.memory_space<vmem_shared>> -> memref<10240xf32, #tpu.memory_space<vmem_shared>>
    tpu.wait_indirect_dma semaphore(%arg10 : memref<!tpu.dma_semaphore, #tpu.memory_space<semaphore_mem>>) src(%arg5 : memref<768xf32, #tpu.memory_space<vmem>>) dst(%dma_wait3A_741 : memref<10240xf32, #tpu.memory_space<vmem_shared>>)
    %dma_wait3A_742 = arith.constant 8 : i32
    %dma_wait3A_743 = arith.constant 0 : i32
    %dma_wait3A_744 = tpu.memref_slice %arg4[%dma_wait3A_742, %dma_wait3A_743] : memref<14x768xi32, #tpu.memory_space<vmem>> -> memref<1x768xi32, #tpu.memory_space<vmem>>
    %dma_wait3A_745 = tpu.memref_squeeze %dma_wait3A_744 : memref<1x768xi32, #tpu.memory_space<vmem>> -> memref<768xi32, #tpu.memory_space<vmem>>
    %dma_wait3A_746 = arith.constant 0 : i32
    %dma_wait3A_747 = tpu.memref_slice %arg9[%dma_wait3A_746] : memref<10240xf32, #tpu.memory_space<vmem_shared>> -> memref<10240xf32, #tpu.memory_space<vmem_shared>>
    tpu.wait_indirect_dma semaphore(%arg10 : memref<!tpu.dma_semaphore, #tpu.memory_space<semaphore_mem>>) src(%arg5 : memref<768xf32, #tpu.memory_space<vmem>>) dst(%dma_wait3A_747 : memref<10240xf32, #tpu.memory_space<vmem_shared>>)
    %dma_wait3A_748 = arith.constant 9 : i32
    %dma_wait3A_749 = arith.constant 0 : i32
    %dma_wait3A_750 = tpu.memref_slice %arg4[%dma_wait3A_748, %dma_wait3A_749] : memref<14x768xi32, #tpu.memory_space<vmem>> -> memref<1x768xi32, #tpu.memory_space<vmem>>
    %dma_wait3A_751 = tpu.memref_squeeze %dma_wait3A_750 : memref<1x768xi32, #tpu.memory_space<vmem>> -> memref<768xi32, #tpu.memory_space<vmem>>
    %dma_wait3A_752 = arith.constant 0 : i32
    %dma_wait3A_753 = tpu.memref_slice %arg9[%dma_wait3A_752] : memref<10240xf32, #tpu.memory_space<vmem_shared>> -> memref<10240xf32, #tpu.memory_space<vmem_shared>>
    tpu.wait_indirect_dma semaphore(%arg10 : memref<!tpu.dma_semaphore, #tpu.memory_space<semaphore_mem>>) src(%arg5 : memref<768xf32, #tpu.memory_space<vmem>>) dst(%dma_wait3A_753 : memref<10240xf32, #tpu.memory_space<vmem_shared>>)
    %dma_wait3A_754 = arith.constant 10 : i32
    %dma_wait3A_755 = arith.constant 0 : i32
    %dma_wait3A_756 = tpu.memref_slice %arg4[%dma_wait3A_754, %dma_wait3A_755] : memref<14x768xi32, #tpu.memory_space<vmem>> -> memref<1x768xi32, #tpu.memory_space<vmem>>
    %dma_wait3A_757 = tpu.memref_squeeze %dma_wait3A_756 : memref<1x768xi32, #tpu.memory_space<vmem>> -> memref<768xi32, #tpu.memory_space<vmem>>
    %dma_wait3A_758 = arith.constant 0 : i32
    %dma_wait3A_759 = tpu.memref_slice %arg9[%dma_wait3A_758] : memref<10240xf32, #tpu.memory_space<vmem_shared>> -> memref<10240xf32, #tpu.memory_space<vmem_shared>>
    tpu.wait_indirect_dma semaphore(%arg10 : memref<!tpu.dma_semaphore, #tpu.memory_space<semaphore_mem>>) src(%arg5 : memref<768xf32, #tpu.memory_space<vmem>>) dst(%dma_wait3A_759 : memref<10240xf32, #tpu.memory_space<vmem_shared>>)
    %dma_wait3A_760 = arith.constant 11 : i32
    %dma_wait3A_761 = arith.constant 0 : i32
    %dma_wait3A_762 = tpu.memref_slice %arg4[%dma_wait3A_760, %dma_wait3A_761] : memref<14x768xi32, #tpu.memory_space<vmem>> -> memref<1x768xi32, #tpu.memory_space<vmem>>
    %dma_wait3A_763 = tpu.memref_squeeze %dma_wait3A_762 : memref<1x768xi32, #tpu.memory_space<vmem>> -> memref<768xi32, #tpu.memory_space<vmem>>
    %dma_wait3A_764 = arith.constant 0 : i32
    %dma_wait3A_765 = tpu.memref_slice %arg9[%dma_wait3A_764] : memref<10240xf32, #tpu.memory_space<vmem_shared>> -> memref<10240xf32, #tpu.memory_space<vmem_shared>>
    tpu.wait_indirect_dma semaphore(%arg10 : memref<!tpu.dma_semaphore, #tpu.memory_space<semaphore_mem>>) src(%arg5 : memref<768xf32, #tpu.memory_space<vmem>>) dst(%dma_wait3A_765 : memref<10240xf32, #tpu.memory_space<vmem_shared>>)
    %dma_wait3A_766 = arith.constant 12 : i32
    %dma_wait3A_767 = arith.constant 0 : i32
    %dma_wait3A_768 = tpu.memref_slice %arg4[%dma_wait3A_766, %dma_wait3A_767] : memref<14x768xi32, #tpu.memory_space<vmem>> -> memref<1x768xi32, #tpu.memory_space<vmem>>
    %dma_wait3A_769 = tpu.memref_squeeze %dma_wait3A_768 : memref<1x768xi32, #tpu.memory_space<vmem>> -> memref<768xi32, #tpu.memory_space<vmem>>
    %dma_wait3A_770 = arith.constant 0 : i32
    %dma_wait3A_771 = tpu.memref_slice %arg9[%dma_wait3A_770] : memref<10240xf32, #tpu.memory_space<vmem_shared>> -> memref<10240xf32, #tpu.memory_space<vmem_shared>>
    tpu.wait_indirect_dma semaphore(%arg10 : memref<!tpu.dma_semaphore, #tpu.memory_space<semaphore_mem>>) src(%arg5 : memref<768xf32, #tpu.memory_space<vmem>>) dst(%dma_wait3A_771 : memref<10240xf32, #tpu.memory_space<vmem_shared>>)
    %eq3A = arith.constant 79 : i32
    %eq3A_772 = arith.cmpi eq, %select_n3A, %eq3A : i32
    %convert_element_type3A_773 = arith.extui %eq3A_772 : i1 to i32
    %cond3A_774 = arith.constant 0 : i32
    %cond3A_775 = arith.cmpi ne, %convert_element_type3A_773, %cond3A_774 : i32
    scf.if %cond3A_775 {
      %run_scoped3A = arith.constant 13 : i32
      "tpu.region"() ({
        %run_scoped3A_786 = tpu.sem_alloc : memref<!tpu.dma_semaphore, #tpu.memory_space<semaphore_mem>>
        %dma_start3A_787 = arith.constant 0 : i32
        %dma_start3A_788 = tpu.memref_slice %arg5[%dma_start3A_787] : memref<768xf32, #tpu.memory_space<vmem>> -> memref<128xf32, #tpu.memory_space<vmem>>
        %dma_start3A_789 = arith.constant 0 : i32
        %dma_start3A_790 = tpu.memref_slice %arg4[%run_scoped3A, %dma_start3A_789] : memref<14x768xi32, #tpu.memory_space<vmem>> -> memref<1x128xi32, #tpu.memory_space<vmem>>
        %dma_start3A_791 = tpu.memref_squeeze %dma_start3A_790 : memref<1x128xi32, #tpu.memory_space<vmem>> -> memref<128xi32, #tpu.memory_space<vmem>>
        %dma_start3A_792 = arith.constant 0 : i32
        %dma_start3A_793 = tpu.memref_slice %arg9[%dma_start3A_792] : memref<10240xf32, #tpu.memory_space<vmem_shared>> -> memref<10240xf32, #tpu.memory_space<vmem_shared>>
        tpu.enqueue_indirect_dma source(%dma_start3A_788 : memref<128xf32, #tpu.memory_space<vmem>>) target(%dma_start3A_793 : memref<10240xf32, #tpu.memory_space<vmem_shared>>) offsets(%dma_start3A_791 : memref<128xi32, #tpu.memory_space<vmem>>) semaphore(%run_scoped3A_786 : memref<!tpu.dma_semaphore, #tpu.memory_space<semaphore_mem>>) {add = true}
        %dma_wait3A_794 = arith.constant 0 : i32
        %dma_wait3A_795 = tpu.memref_slice %arg5[%dma_wait3A_794] : memref<768xf32, #tpu.memory_space<vmem>> -> memref<128xf32, #tpu.memory_space<vmem>>
        %dma_wait3A_796 = arith.constant 0 : i32
        %dma_wait3A_797 = tpu.memref_slice %arg4[%run_scoped3A, %dma_wait3A_796] : memref<14x768xi32, #tpu.memory_space<vmem>> -> memref<1x128xi32, #tpu.memory_space<vmem>>
        %dma_wait3A_798 = tpu.memref_squeeze %dma_wait3A_797 : memref<1x128xi32, #tpu.memory_space<vmem>> -> memref<128xi32, #tpu.memory_space<vmem>>
        %dma_wait3A_799 = arith.constant 0 : i32
        %dma_wait3A_800 = tpu.memref_slice %arg9[%dma_wait3A_799] : memref<10240xf32, #tpu.memory_space<vmem_shared>> -> memref<10240xf32, #tpu.memory_space<vmem_shared>>
        tpu.wait_indirect_dma semaphore(%run_scoped3A_786 : memref<!tpu.dma_semaphore, #tpu.memory_space<semaphore_mem>>) src(%dma_wait3A_795 : memref<128xf32, #tpu.memory_space<vmem>>) dst(%dma_wait3A_800 : memref<10240xf32, #tpu.memory_space<vmem_shared>>)
        tpu.yield
      }) : () -> ()
    } else {
    }
    %barrier3A_776 = arith.constant 0 : index
    tpu.barrier barrier_id(%barrier3A_776)
    %mul3A_777 = arith.constant 640 : i32
    %mul3A_778 = arith.muli %arg1, %mul3A_777 : i32
    "tpu.region"() ({
      %run_scoped3A = tpu.sem_alloc : memref<!tpu.dma_semaphore, #tpu.memory_space<semaphore_mem>>
      %dma_start3A_786 = tpu.memref_slice %arg9[%mul3A_778] : memref<10240xf32, #tpu.memory_space<vmem_shared>> -> memref<640xf32, #tpu.memory_space<vmem_shared>>
      %dma_start3A_787 = tpu.memref_slice %arg9[%mul3A_778] : memref<10240xf32, #tpu.memory_space<vmem_shared>> -> memref<640xf32, #tpu.memory_space<vmem_shared>>
      tpu.enqueue_dma source(%dma_start3A_787 : memref<640xf32, #tpu.memory_space<vmem_shared>>) target(%arg7 : memref<640xf32, #tpu.memory_space<vmem>>) target_semaphore(%run_scoped3A : memref<!tpu.dma_semaphore, #tpu.memory_space<semaphore_mem>>)
      %dma_wait3A_788 = tpu.memref_slice %arg9[%mul3A_778] : memref<10240xf32, #tpu.memory_space<vmem_shared>> -> memref<640xf32, #tpu.memory_space<vmem_shared>>
      %dma_wait3A_789 = tpu.memref_slice %arg9[%mul3A_778] : memref<10240xf32, #tpu.memory_space<vmem_shared>> -> memref<640xf32, #tpu.memory_space<vmem_shared>>
      tpu.wait_dma2 semaphore(%run_scoped3A : memref<!tpu.dma_semaphore, #tpu.memory_space<semaphore_mem>>) src(%dma_wait3A_789 : memref<640xf32, #tpu.memory_space<vmem_shared>>) dst(%arg7 : memref<640xf32, #tpu.memory_space<vmem>>)
      tpu.yield
    }) : () -> ()
    %scan3A = arith.constant 0 : i32
    %scan3A_779 = arith.constant 0 : i32
    %scan3A_780 = arith.constant 640 : i32
    %scan3A_781 = arith.addi %scan3A_779, %scan3A_780 : i32
    %scan3A_782 = arith.constant 1 : i32
    scf.for %scan3A_786 = %scan3A_779 to %scan3A_781 step %scan3A_782  : i32 {
      %broadcast_in_dim3A_787 = vector.broadcast %scan3A_786 : i32 to vector<16xi32>
      %gather3A = tpu.vector_load_idx %arg7[%broadcast_in_dim3A_787] : memref<640xf32, #tpu.memory_space<vmem>>[vector<16xi32>], vector<16xf32>,
      %swap3A_788 = arith.index_cast %scan3A_786 : i32 to index
      %swap3A_789 = arith.constant 0 : index
      %swap3A_790 = tpu.vector_load %arg8[%swap3A_788, %swap3A_789] {strides = array<i32>} : memref<640x32xf32, #tpu.memory_space<vmem>>, vector<16xf32>,
      tpu.vector_store %arg8[%swap3A_788, %swap3A_789], %gather3A {strides = array<i32>} : memref<640x32xf32, #tpu.memory_space<vmem>>, vector<16xf32>,
      %swap3A_791 = arith.index_cast %scan3A_786 : i32 to index
      %swap3A_792 = arith.constant 16 : index
      %swap3A_793 = tpu.vector_load %arg8[%swap3A_791, %swap3A_792] {strides = array<i32>} : memref<640x32xf32, #tpu.memory_space<vmem>>, vector<16xf32>,
      tpu.vector_store %arg8[%swap3A_791, %swap3A_792], %gather3A {strides = array<i32>} : memref<640x32xf32, #tpu.memory_space<vmem>>, vector<16xf32>,
    }
    %scan3A_783 = arith.constant 640 : i32
    %mul3A_784 = arith.constant 640 : i32
    %mul3A_785 = arith.muli %arg1, %mul3A_784 : i32
    "tpu.region"() ({
      %run_scoped3A = tpu.sem_alloc : memref<!tpu.dma_semaphore, #tpu.memory_space<semaphore_mem>>
      %dma_start3A_786 = arith.constant 0 : i32
      %dma_start3A_787 = tpu.memref_slice %arg3[%arg0, %mul3A_785, %dma_start3A_786] : memref<2x10240x32xf32, #tpu.memory_space<hbm>> -> memref<1x640x32xf32, #tpu.memory_space<hbm>>
      %dma_start3A_788 = tpu.memref_squeeze %dma_start3A_787 : memref<1x640x32xf32, #tpu.memory_space<hbm>> -> memref<640x32xf32, #tpu.memory_space<hbm>>
      %dma_start3A_789 = arith.constant 0 : i32
      %dma_start3A_790 = tpu.memref_slice %arg3[%arg0, %mul3A_785, %dma_start3A_789] : memref<2x10240x32xf32, #tpu.memory_space<hbm>> -> memref<1x640x32xf32, #tpu.memory_space<hbm>>
      %dma_start3A_791 = tpu.memref_squeeze %dma_start3A_790 : memref<1x640x32xf32, #tpu.memory_space<hbm>> -> memref<640x32xf32, #tpu.memory_space<hbm>>
      tpu.enqueue_dma source(%arg8 : memref<640x32xf32, #tpu.memory_space<vmem>>) target(%dma_start3A_791 : memref<640x32xf32, #tpu.memory_space<hbm>>) target_semaphore(%run_scoped3A : memref<!tpu.dma_semaphore, #tpu.memory_space<semaphore_mem>>)
      %dma_wait3A_792 = arith.constant 0 : i32
      %dma_wait3A_793 = tpu.memref_slice %arg3[%arg0, %mul3A_785, %dma_wait3A_792] : memref<2x10240x32xf32, #tpu.memory_space<hbm>> -> memref<1x640x32xf32, #tpu.memory_space<hbm>>
      %dma_wait3A_794 = tpu.memref_squeeze %dma_wait3A_793 : memref<1x640x32xf32, #tpu.memory_space<hbm>> -> memref<640x32xf32, #tpu.memory_space<hbm>>
      %dma_wait3A_795 = arith.constant 0 : i32
      %dma_wait3A_796 = tpu.memref_slice %arg3[%arg0, %mul3A_785, %dma_wait3A_795] : memref<2x10240x32xf32, #tpu.memory_space<hbm>> -> memref<1x640x32xf32, #tpu.memory_space<hbm>>
      %dma_wait3A_797 = tpu.memref_squeeze %dma_wait3A_796 : memref<1x640x32xf32, #tpu.memory_space<hbm>> -> memref<640x32xf32, #tpu.memory_space<hbm>>
      tpu.wait_dma2 semaphore(%run_scoped3A : memref<!tpu.dma_semaphore, #tpu.memory_space<semaphore_mem>>) src(%arg8 : memref<640x32xf32, #tpu.memory_space<vmem>>) dst(%dma_wait3A_797 : memref<640x32xf32, #tpu.memory_space<hbm>>)
      tpu.yield
    }) : () -> ()
    return
  }
}

</mosaic_0001>

<sc_bundles>
// kernel: _sc_deg.3.cloned.1.call-start
scs
__scs_entry_jumppad:
0x0: {  	(pc) =	sbr.rel $0x88, $3  }
0x1: {  	(tag) =	ssettag $0x0;
	lr =	simm.s32 $0x1  }
0x2: {  	[smem:$0x3FA0] =	sst lr;
	_ =	strace $0xD0000000  }
0x3: {  	_ = 	snop  }
0x4: {  	_ = 	snop  }
0x5: {  	_ = 	snop  }
0x6: {  	_ = 	snop  }
0x7: {  	_ = 	snop  }
__scs_overlays_trampoline_lowered:
0x8: {  	[smem:$0x3FAF] =	sst s0  }
0x9: {  	[smem:$0x3FB0] =	sst s1  }
0xa: {  	[smem:$0x3FB1] =	sst s2  }
0xb: {  	[smem:$0x3FB2] =	sst s3  }
0xc: {  	[smem:$0x3FB3] =	sst s4  }
0xd: {  	[smem:$0x3FB4] =	sst s5  }
0xe: {  	[smem:$0x3FB5] =	sst s6  }
0xf: {  	[smem:$0x3FB6] =	sst s7  }
0x10: {  	[smem:$0x3FB7] =	sst s8  }
0x11: {  	[smem:$0x3FB8] =	sst s9;
	s0 =	simm.s32 @!p0 $0x0  }
0x12: {  	s1 =	sld [smem:$0x3F9E];
	s0 =	simm.s32 @p0 $0x1  }
0x13: {  	[smem:$0x3FB9] =	sst s0;
	s0 =	simm.s32 @!p1 $0x0  }
0x14: {  	s2 =	sld [smem:$0x3F9D];
	s0 =	simm.s32 @p1 $0x1  }
0x15: {  	[smem:$0x3FBA] =	sst s0;
	s0 =	simm.s32 @!p2 $0x0  }
0x16: {  	s3 =	sld [smem:$0x3FDB];
	s0 =	simm.s32 @p2 $0x1  }
0x17: {  	s4 =	simm.s32 $0x1BF5;
	[smem:$0x3FBC] =	sst s0  }
0x18: {  	s0 =	sld [smem:$0x3F9F];
	_ =	swait.ge [sflag:s4], $0x0  }
0x19: {  	s7 =	sld [smem:$0x3FA0]  }
0x1a: {  	s8 =	sadd.s32 $0xFFFFE003, lr  }
0x1b: {  	s9 =	sadd.s32 $0xFFFFFEF7, lr;
	s5 =	simm.s32 $0xFFFFFFFF;
	p2 =	slt.u32 s8, $0xFFFFF086  }
0x1c: {  	p1 =	slt.u32 s9, $0xF7A;
	s5 =	simm.s32 @!p2 $0x0  }
0x1d: {  	s5 =	simm.s32 @p1 $0x1;
	p0 =	seq.s32 s7, s2  }
0x1e: {  	s7 =	smul.u32 @!p0 $0xF7A, s2;
	p2 =	seq.s32 @!p0 s5, $0x0  }
0x1f: {  	s9 =	smul.u32 $0xF7A, s1;
	s8 =	simm.s32 @!p0 $0x1BF5;
	p2 =	por !p2, p0  }
0x20: {  	[sflag:s8] =	ssyncset.s32 @!p0 $0xFFFFF086;
	s6 =	sadd.s32 @!p0 s3, s7;
	s7 =	simm.s32 @!p0 $0x108  }
0x21: {  	s3 =	sadd.s32 s3, s9;
	s6 =	sadd.s32 @!p0 $0x88, s6;
	s7 =	simm.s32 @p2 $0x1082  }
0x22: {  	[simem:s7], [sflag:s8] =	dma.local @!p0 [hbm:s6], $0xF7A  }
0x23: {  	s9 =	sor.u32 $0xD0000000, s2;
	s6 =	simm.s32 $0x108;
	_ =	swait.ge @!p0 [sflag:s8], $0x0  }
0x24: {  	s3 =	sadd.s32 $0x88, s3;
	s6 =	simm.s32 @!p1 $0x1082;
	[sflag:s4] =	ssyncset.s32 $0xFFFFF086  }
0x25: {  	[simem:s6], [sflag:s4] =	dma.local [hbm:s3], $0xF7A  }
0x26: {  	[smem:$0x3FA0] =	sst s1;
	(tag) =	ssettag s2;
	_ =	strace s9  }
0x27: {  	s1 =	sld [smem:$0x3FB0]  }
0x28: {  	s2 =	sld [smem:$0x3FB1]  }
0x29: {  	s4 =	sld [smem:$0x3FB3]  }
0x2a: {  	p0 =	seq.s32 s5, $0x0;
	s5 =	sld [smem:$0x3FB4]  }
0x2b: {  	s6 =	sld [smem:$0x3FB5]  }
0x2c: {  	s7 =	sld [smem:$0x3FB6]  }
0x2d: {  	s3 =	simm.s32 $0x108;
	s8 =	sld [smem:$0x3FB7]  }
0x2e: {  	s3 =	simm.s32 @!p0 $0x1082;
	s9 =	sld [smem:$0x3FB8]  }
0x2f: {  	lr =	sadd.s32 s0, s3;
	s0 =	sld [smem:$0x3FAF]  }
0x30: {  	s3 =	sld [smem:$0x3FB2]  }
0x31: {  	[smem:$0x3FBB] =	sst s10  }
0x32: {  	s10 =	sld [smem:$0x3FB9];
	_ =	sdelay $0x3  }
0x33: {  	p0 =	seq.s32 s10, $0x1;
	s10 =	sld [smem:$0x3FBB];
	_ =	sdelay $0x3  }
0x34: {  	[smem:$0x3FBB] =	sst s10  }
0x35: {  	s10 =	sld [smem:$0x3FBA];
	_ =	sdelay $0x3  }
0x36: {  	p1 =	seq.s32 s10, $0x1;
	s10 =	sld [smem:$0x3FBB];
	_ =	sdelay $0x3  }
0x37: {  	[smem:$0x3FBB] =	sst s10  }
0x38: {  	s10 =	sld [smem:$0x3FBC]  }
0x39: {  	_ = 	snop;
	(pc) =	sbr.ind lr, $3  }
0x3a: {  	_ = 	snop  }
0x3b: {  	_ = 	snop  }
0x3c: {  	p2 =	seq.s32 s10, $0x1;
	s10 =	sld [smem:$0x3FBB]  }
0x3d: {  	_ =	shalt  }
0x3e: {  	_ =	shalt  }
0x3f: {  	_ =	shalt  }
0x40: {  	_ =	shalt  }
0x41: {  	_ =	shalt  }
0x42: {  	_ =	shalt  }
0x43: {  	_ =	shalt  }
0x44: {  	_ =	shalt  }
0x45: {  	_ =	shalt  }
0x46: {  	_ =	shalt  }
0x47: {  	_ =	shalt  }
0x48: {  	_ =	shalt  }
0x49: {  	_ =	shalt  }
0x4a: {  	_ =	shalt  }
0x4b: {  	_ =	shalt  }
0x4c: {  	_ =	shalt  }
0x4d: {  	_ =	shalt  }
0x4e: {  	_ =	shalt  }
0x4f: {  	_ =	shalt  }
0x50: {  	_ =	shalt  }
0x51: {  	_ =	shalt  }
0x52: {  	_ =	shalt  }
0x53: {  	_ =	shalt  }
0x54: {  	_ =	shalt  }
0x55: {  	_ =	shalt  }
0x56: {  	_ =	shalt  }
0x57: {  	_ =	shalt  }
0x58: {  	_ =	shalt  }
0x59: {  	_ =	shalt  }
0x5a: {  	_ =	shalt  }
0x5b: {  	_ =	shalt  }
0x5c: {  	_ =	shalt  }
0x5d: {  	_ =	shalt  }
0x5e: {  	_ =	shalt  }
0x5f: {  	_ =	shalt  }
0x60: {  	_ =	shalt  }
0x61: {  	_ =	shalt  }
0x62: {  	_ =	shalt  }
0x63: {  	_ =	shalt  }
0x64: {  	_ =	shalt  }
0x65: {  	_ =	shalt  }
0x66: {  	_ =	shalt  }
0x67: {  	_ =	shalt  }
0x68: {  	_ =	shalt  }
0x69: {  	_ =	shalt  }
0x6a: {  	_ =	shalt  }
0x6b: {  	_ =	shalt  }
0x6c: {  	_ =	shalt  }
0x6d: {  	_ =	shalt  }
0x6e: {  	_ =	shalt  }
0x6f: {  	_ =	shalt  }
0x70: {  	_ =	shalt  }
0x71: {  	_ =	shalt  }
0x72: {  	_ =	shalt  }
0x73: {  	_ =	shalt  }
0x74: {  	_ =	shalt  }
0x75: {  	_ =	shalt  }
0x76: {  	_ =	shalt  }
0x77: {  	_ =	shalt  }
0x78: {  	_ =	shalt  }
0x79: {  	_ =	shalt  }
0x7a: {  	_ =	shalt  }
0x7b: {  	_ =	shalt  }
0x7c: {  	_ =	shalt  }
0x7d: {  	_ =	shalt  }
0x7e: {  	_ =	shalt  }
0x7f: {  	_ =	shalt  }
0x80: {  	_ =	shalt  }
0x81: {  	_ =	shalt  }
0x82: {  	_ =	shalt  }
0x83: {  	_ =	shalt  }
0x84: {  	_ =	shalt  }
0x85: {  	_ =	shalt  }
0x86: {  	_ =	shalt  }
0x87: {  	_ =	shalt  }
.Lfunc_end0:
.L_simem_size_0:
called_computation_lowered:
.L_overlay_start_0:
0x88: {  	s2 =	sld [smem:$0x3FD9]  }
0x89: {  	s3 =	sld [smem:$0x3FFE];
	_ =	sdelay $0x1  }
0x8a: {  	s1 =	srdreg.scid  }
0x8b: {  	s0 =	sand.u32 $0x1, s1  }
0x8c: {  	s17 =	sshll.u32 s0, $0xA;
	s2 =	sadd.s32 s3, s2  }
0x8d: {  	s2 =	sadd.s32 s2, s17  }
0x8e: {  	[smem:$0x3FC7] =	sst s2  }
0x8f: {  	_ = 	snop  }
0x90: {  	s2 =	sld [smem:$0x3FD0];
	(tm) =	ssettm $0x1  }
0x91: {  	s18 =	sld [smem:$0x3FFB];
	_ =	sdelay $0x3  }
0x92: {  	_ =	strace s18  }
0x93: {  	s3 =	sld [smem:$0x3FFC];
	_ =	sdelay $0x3  }
0x94: {  	_ =	strace s3  }
0x95: {  	s3 =	sld [smem:$0x3FFD];
	_ =	sdelay $0x3  }
0x96: {  	_ =	strace s3  }
0x97: {  	_ =	strace $0x8FFFFFFF  }
0x98: {  	s19 =	sld [smem:$0x3FDB];
	_ =	sdelay $0x1  }
0x99: {  	s4 =	simm.s32 $_scs_section_size  }
0x9a: {  	s5 =	simm.s32 $_size__tile_overlayer_lowered;
	s6 =	simm.s32 $_tile_overlayer_lowered  }
0x9b: {  	s22 =	simm.s32 $0x1BFF;
	s21 =	sshll.u32 s6, $0x1;
	s3 =	sadd.s32 s4, s19  }
0x9c: {  	s7 =	simm.s32 $0x0;
	s20 =	sshll.u32 s5, $0x1;
	s5 =	sadd.s32 s21, s3  }
0x9d: {  	[timem:s7], [sflag:s22] =	dma.local [hbm:s5], s20  }
0x9e: {  	_ =	swait.ge [sflag:s22], s20  }
0x9f: {  	s4 =	ssub.s32 $0x0, s20;
	[sflag:s22] =	ssyncset.done $0x0  }
0xa0: {  	[sflag:s22] =	ssyncadd.s32 s4;
	_ =	sdelay $0x1  }
0xa1: {  	s23 =	simm.s32 $0x1B8B  }
0xa2: {  	_ =	swait.ge [sflag:s23], $0x1  }
0xa3: {  	[sflag:s23] =	ssyncset.done $0x0  }
0xa4: {  	s25 =	simm.s32 $0x1B8E;
	s24 =	sld [smem:$0x3FFE];
	[sflag:s23] =	ssyncadd.s32 $0xFFFFFFFF  }
0xa5: {  	s26 =	simm.s32 $execute0_lowered;
	[smem:$0x3FD2] =	sst s25  }
0xa6: {  	s5 =	sshll.u32 s26, $0x1;
	_ =	strace $0x80000046;
	[dreg:$0x1] =	wrdreg $0xFFFFFFFF  }
0xa7: {  	s28 =	simm.s32 $_size_execute0_lowered;
	s3 =	sadd.s32 s3, s5;
	[dreg:$0x0] =	wrdreg $0x0  }
0xa8: {  	s5 =	sshll.u32 s28, $0x1;
	[dreg:$0x2] =	wrdreg s3  }
0xa9: {  	[dreg:$0x3] =	wrdreg s5  }
0xaa: {  	[dreg:$0x4] =	wrdreg $0xC0  }
0xab: {  	_ =	task [dreg:s7], $0x5FFFF  }
0xac: {  	[dreg:$0x1] =	wrdreg $0xFFFFFFFF  }
0xad: {  	[dreg:$0x0] =	wrdreg $0x60  }
0xae: {  	[dreg:$0x2] =	wrdreg s24  }
0xaf: {  	[dreg:$0x3] =	wrdreg s2  }
0xb0: {  	[dreg:$0x4] =	wrdreg $0x80000  }
0xb1: {  	[dreg:$0x5] =	wrdreg $0x9  }
0xb2: {  	_ =	task.clear_ibuf [dreg:s7], $0x6FFFF;
	_ =	strace $0x90000046  }
0xb3: {  	s29 =	simm.s32 $0x9;
	_ =	strace $0x80000048  }
0xb4: {  	_ =	swait.ge [sflag:s29], $0x1  }
0xb5: {  	[sflag:s29] =	ssyncadd.s32 $0xFFFFFFFF  }
0xb6: {  	_ =	strace $0x90000048  }
0xb7: {  	_ =	sfence  }
0xb8: {  	s30 =	sld [smem:$0x0];
	_ =	sdelay $0x2  }
0xb9: {  	s31 =	sshll.u32 s1, $0xD;
	s1 =	sshrl.u32 s1, $0x2  }
0xba: {  	s3 =	sand.u32 $0x4000, s31;
	s1 =	sadd.s32 s1, s30  }
0xbb: {  	s0 =	sor.u32 s3, s0;
	s1 =	sshll.u32 s1, $0x11  }
0xbc: {  	s0 =	sor.u32 s1, s0  }
0xbd: {  	s0 =	sadd.s32 $0x8F2B, s0  }
0xbe: {  	[sflag:s0] =	ssyncadd.remote.s32 $0x1  }
0xbf: {  	_ =	sfence.sel $0xFFFF  }
0xc0: {  	[dreg:$0x0] =	wrdreg $0xFFFFFFFF;
	(pc) =	sbr.abs _section_cstart, $3  }
0xc1: {  	[dreg:$0x1] =	wrdreg $0xFFFFFFFF  }
0xc2: {  	_ =	task.clear_ibuf [dreg:s7], $0x2FFFF;
	_ =	strace $0x9FFFFFFF  }
0xc3: {  	(tm) =	ssettm $0x7FFFFFFF  }
tec
execute0_lowered:
.L_overlay_start_1:
0x0: {  	(tag) =	ssettag $0x1  }
0x1: {  	s0 =	srdreg.scid  }
0x2: {  	s0 =	sand.u32 $0x1, s0  }
0x3: {  	s8 =	stileid.u32;
	s1 =	sshll.u32 s0, $0x4  }
0x4: {  	s4 =	rddreg [dreg:$0x0];
	s1 =	sor.u32 s8, s1  }
0x5: {  	s5 =	rddreg [dreg:$0x1];
	s6 =	smul.u32 $0x4E, s1  }
0x6: {  	s2 =	rddreg [dreg:$0x2];
	s7 =	smin.u32 s1, $0x4  }
0x7: {  	s3 =	simm.s32 $0x0;
	s28 =	simm.s32 $0x900;
	s6 =	sadd.s32 s7, s6  }
0x8: {  	s29 =	simm.s32 $0xC00;
	s30 =	simm.s32 $0xF00;
	s6 =	sshll.u32 s6, $0x4  }
0x9: {  	s31 =	simm.s32 $0x1200;
	s10 =	simm.s32 $0x2;
	s4 =	sadd.s32 s6, s4  }
0xa: {  	s11 =	simm.s32 $0x2A00;
	[smem:$0x7FF] =	sst s3;
	s14 =	sadd.s32 $0xA040, s4  }
0xb: {  	_ =	strace $0x80000047;
	s15 =	sadd.s32 $0xA0A0, s4;
	[dreg:$0x4] =	wrdreg s14  }
0xc: {  	s21 =	smul.u32 $0xA00, s8;
	s16 =	sadd.s32 $0xA100, s4;
	[dreg:$0x5] =	wrdreg s15  }
0xd: {  	s12 =	ssub.s32 $0x2, s0;
	s17 =	sadd.s32 $0xA160, s4;
	[dreg:$0x6] =	wrdreg s16  }
0xe: {  	s0 =	smul.u32 $0x50000, s0;
	s18 =	sadd.s32 $0xA1C0, s4;
	[dreg:$0x7] =	wrdreg s17  }
0xf: {  	s13 =	sshrl.u32 s12, $0x1;
	s19 =	sadd.s32 $0xA220, s4;
	[dreg:$0x8] =	wrdreg s18  }
0x10: {  	s8 =	smul.u32 $0x5000, s8;
	s20 =	sadd.s32 $0xA280, s4;
	[dreg:$0x9] =	wrdreg s19  }
0x11: {  	p0 =	sgt.u32 s1, $0x3;
	s9 =	sadd.s32 $0xA2E0, s4;
	[dreg:$0xa] =	wrdreg s20  }
0x12: {  	s1 =	simm.s32 $0x1500;
	s22 =	sadd.s32 $0xA340, s4;
	[dreg:$0xb] =	wrdreg s9  }
0x13: {  	s0 =	sadd.s32 s8, s0;
	s23 =	sadd.s32 $0xA3A0, s4;
	[dreg:$0xc] =	wrdreg s22  }
0x14: {  	s8 =	simm.s32 $0x1;
	s24 =	sadd.s32 $0xA400, s4;
	[dreg:$0xd] =	wrdreg s23  }
0x15: {  	s7 =	sshrl.u32 s21, $0x2;
	s25 =	sadd.s32 $0xA460, s4;
	[dreg:$0xe] =	wrdreg s24  }
0x16: {  	s0 =	sshrl.u32 s0, $0x3;
	s26 =	sadd.s32 $0xA4C0, s4;
	[dreg:$0xf] =	wrdreg s25  }
0x17: {  	s6 =	ssub.s32 s12, s13;
	s4 =	sadd.s32 $0xA520, s4;
	[dreg:$0x10] =	wrdreg s26  }
0x18: {  	s12 =	simm.s32 $0x2D80;
	s13 =	simm.s32 $0x0;
	[dreg:$0x11] =	wrdreg s4  }
0x19: {  	s18 =	sadd.s32 s7, s2;
	s22 =	sadd.s32 s5, s0;
	s24 =	smax.u32 s6, $0x1  }
0x1a: {  	s25 =	simm.s32 $0x300;
	s26 =	simm.s32 $0x600;
	s0 =	simm.s32 $0x1800  }
0x1b: {  	s4 =	simm.s32 $0x1B00;
	s5 =	simm.s32 $0x1E00;
	s6 =	simm.s32 $0x2100  }
0x1c: {  	s7 =	simm.s32 $0x2400;
	s9 =	simm.s32 $0x2D00;
	s19 =	sadd.s32 $0x80, s18  }
0x1d: {  	v0 =	vimm.f32 $1.000000000e+00;
	v1 =	vimm.f32 $0.0e+00;
	s20 =	sadd.s32 $0x100, s18;
	s21 =	sadd.s32 $0x180, s18;
	s23 =	sadd.s32 $0x200, s18  }
.LBB2_1:
0x1e: {  	s14 =	rddreg [dreg:$0x4]  }
0x1f: {  	[tilespmem:s3], [sflag:$0x1] =	stream.linear.gather [hbm4b:s14+s3], $0x300, $0x38;
	[tilespmem:$0x8280] =	vst v63  }
0x20: {  	s16 =	rddreg [dreg:$0x5]  }
0x21: {  	[tilespmem:s25], [sflag:$0x1] =	stream.linear.gather [hbm4b:s16+s3], $0x300, $0x38;
	[tilespmem:$0x8280] =	vst v63  }
0x22: {  	s17 =	rddreg [dreg:$0x6]  }
0x23: {  	[tilespmem:s26], [sflag:$0x1] =	stream.linear.gather [hbm4b:s17+s3], $0x300, $0x38;
	[tilespmem:$0x8280] =	vst v63  }
0x24: {  	s15 =	rddreg [dreg:$0x7]  }
0x25: {  	[tilespmem:s28], [sflag:$0x1] =	stream.linear.gather [hbm4b:s15+s3], $0x300, $0x38;
	[tilespmem:$0x8280] =	vst v63  }
0x26: {  	s16 =	rddreg [dreg:$0x8]  }
0x27: {  	[tilespmem:s29], [sflag:$0x1] =	stream.linear.gather [hbm4b:s16+s3], $0x300, $0x38;
	[tilespmem:$0x8280] =	vst v63  }
0x28: {  	s17 =	rddreg [dreg:$0x9]  }
0x29: {  	[tilespmem:s30], [sflag:$0x1] =	stream.linear.gather [hbm4b:s17+s3], $0x300, $0x38;
	[tilespmem:$0x8280] =	vst v63  }
0x2a: {  	s15 =	rddreg [dreg:$0xa]  }
0x2b: {  	[tilespmem:s31], [sflag:$0x1] =	stream.linear.gather [hbm4b:s15+s3], $0x300, $0x38;
	[tilespmem:$0x8280] =	vst v63  }
0x2c: {  	s16 =	rddreg [dreg:$0xb]  }
0x2d: {  	[tilespmem:s1], [sflag:$0x1] =	stream.linear.gather [hbm4b:s16+s3], $0x300, $0x38;
	[tilespmem:$0x8280] =	vst v63  }
0x2e: {  	s17 =	rddreg [dreg:$0xc]  }
0x2f: {  	[tilespmem:s0], [sflag:$0x1] =	stream.linear.gather [hbm4b:s17+s3], $0x300, $0x38;
	[tilespmem:$0x8280] =	vst v63  }
0x30: {  	s15 =	rddreg [dreg:$0xd]  }
0x31: {  	[tilespmem:s4], [sflag:$0x1] =	stream.linear.gather [hbm4b:s15+s3], $0x300, $0x38;
	[tilespmem:$0x8280] =	vst v63  }
0x32: {  	s16 =	rddreg [dreg:$0xe]  }
0x33: {  	[tilespmem:s5], [sflag:$0x1] =	stream.linear.gather [hbm4b:s16+s3], $0x300, $0x38;
	[tilespmem:$0x8280] =	vst v63  }
0x34: {  	s17 =	rddreg [dreg:$0xf]  }
0x35: {  	[tilespmem:s6], [sflag:$0x1] =	stream.linear.gather [hbm4b:s17+s3], $0x300, $0x38;
	[tilespmem:$0x8280] =	vst v63  }
0x36: {  	s15 =	rddreg [dreg:$0x10]  }
0x37: {  	[tilespmem:s7], [sflag:$0x1] =	stream.linear.gather [hbm4b:s15+s3], $0x300, $0x38;
	[tilespmem:$0x8280] =	vst v63  }
0x38: {  	_ =	swait.ge [sflag:s8], $0x300  }
0x39: {  	[sflag:s8] =	ssyncset.done $0x0  }
0x3a: {  	[sflag:s8] =	ssyncadd.s32 $0xFFFFFD00  }
0x3b: {  	_ =	swait.ge [sflag:s8], $0x300  }
0x3c: {  	[sflag:s8] =	ssyncset.done $0x0  }
0x3d: {  	[sflag:s8] =	ssyncadd.s32 $0xFFFFFD00  }
0x3e: {  	_ =	swait.ge [sflag:s8], $0x300  }
0x3f: {  	[sflag:s8] =	ssyncset.done $0x0  }
0x40: {  	[sflag:s8] =	ssyncadd.s32 $0xFFFFFD00  }
0x41: {  	_ =	swait.ge [sflag:s8], $0x300  }
0x42: {  	[sflag:s8] =	ssyncset.done $0x0  }
0x43: {  	[sflag:s8] =	ssyncadd.s32 $0xFFFFFD00  }
0x44: {  	_ =	swait.ge [sflag:s8], $0x300  }
0x45: {  	[sflag:s8] =	ssyncset.done $0x0  }
0x46: {  	[sflag:s8] =	ssyncadd.s32 $0xFFFFFD00  }
0x47: {  	_ =	swait.ge [sflag:s8], $0x300  }
0x48: {  	[sflag:s8] =	ssyncset.done $0x0  }
0x49: {  	[sflag:s8] =	ssyncadd.s32 $0xFFFFFD00  }
0x4a: {  	_ =	swait.ge [sflag:s8], $0x300  }
0x4b: {  	[sflag:s8] =	ssyncset.done $0x0  }
0x4c: {  	[sflag:s8] =	ssyncadd.s32 $0xFFFFFD00  }
0x4d: {  	_ =	swait.ge [sflag:s8], $0x300  }
0x4e: {  	[sflag:s8] =	ssyncset.done $0x0  }
0x4f: {  	[sflag:s8] =	ssyncadd.s32 $0xFFFFFD00  }
0x50: {  	_ =	swait.ge [sflag:s8], $0x300  }
0x51: {  	[sflag:s8] =	ssyncset.done $0x0  }
0x52: {  	[sflag:s8] =	ssyncadd.s32 $0xFFFFFD00  }
0x53: {  	_ =	swait.ge [sflag:s8], $0x300  }
0x54: {  	[sflag:s8] =	ssyncset.done $0x0  }
0x55: {  	[sflag:s8] =	ssyncadd.s32 $0xFFFFFD00  }
0x56: {  	_ =	swait.ge [sflag:s8], $0x300  }
0x57: {  	[sflag:s8] =	ssyncset.done $0x0  }
0x58: {  	[sflag:s8] =	ssyncadd.s32 $0xFFFFFD00  }
0x59: {  	_ =	swait.ge [sflag:s8], $0x300  }
0x5a: {  	[sflag:s8] =	ssyncset.done $0x0  }
0x5b: {  	[sflag:s8] =	ssyncadd.s32 $0xFFFFFD00  }
0x5c: {  	_ =	swait.ge [sflag:s8], $0x300  }
0x5d: {  	s14 =	simm.s32 @!p0 $0x0;
	[sflag:s8] =	ssyncset.done $0x0  }
0x5e: {  	s15 =	simm.s32 @!p0 $0x2700;
	s16 =	rddreg [dreg:$0x11];
	[sflag:s8] =	ssyncadd.s32 $0xFFFFFD00  }
0x5f: {  	[tilespmem:s15], [sflag:$0x2] =	stream.linear.gather @!p0 [hbm4b:s16+s14], $0x80, $0x38;
	[tilespmem:$0x8280] =	vst v63  }
0x60: {  	s14 =	simm.s32 @!p0 $0x2  }
0x61: {  	_ =	swait.ge @!p0 [sflag:s14], $0x80  }
0x62: {  	[sflag:s14] =	ssyncset.done @!p0 $0x0  }
0x63: {  	[sflag:s14] =	ssyncadd.s32 @!p0 $0xFFFFFF80  }
0x64: {  	[tilespmem:$0x2A00] =	vst v0  }
0x65: {  	[tilespmem:$0x2A10] =	vst v0  }
0x66: {  	[tilespmem:$0x2A20] =	vst v0  }
0x67: {  	[tilespmem:$0x2A30] =	vst v0  }
0x68: {  	[tilespmem:$0x2A40] =	vst v0  }
0x69: {  	[tilespmem:$0x2A50] =	vst v0  }
0x6a: {  	[tilespmem:$0x2A60] =	vst v0  }
0x6b: {  	[tilespmem:$0x2A70] =	vst v0  }
0x6c: {  	[tilespmem:$0x2A80] =	vst v0  }
0x6d: {  	[tilespmem:$0x2A90] =	vst v0  }
0x6e: {  	[tilespmem:$0x2AA0] =	vst v0  }
0x6f: {  	[tilespmem:$0x2AB0] =	vst v0  }
0x70: {  	[tilespmem:$0x2AC0] =	vst v0  }
0x71: {  	[tilespmem:$0x2AD0] =	vst v0  }
0x72: {  	[tilespmem:$0x2AE0] =	vst v0  }
0x73: {  	[tilespmem:$0x2AF0] =	vst v0  }
0x74: {  	[tilespmem:$0x2B00] =	vst v0  }
0x75: {  	[tilespmem:$0x2B10] =	vst v0  }
0x76: {  	[tilespmem:$0x2B20] =	vst v0  }
0x77: {  	[tilespmem:$0x2B30] =	vst v0  }
0x78: {  	[tilespmem:$0x2B40] =	vst v0  }
0x79: {  	[tilespmem:$0x2B50] =	vst v0  }
0x7a: {  	[tilespmem:$0x2B60] =	vst v0  }
0x7b: {  	[tilespmem:$0x2B70] =	vst v0  }
0x7c: {  	[tilespmem:$0x2B80] =	vst v0  }
0x7d: {  	[tilespmem:$0x2B90] =	vst v0  }
0x7e: {  	[tilespmem:$0x2BA0] =	vst v0  }
0x7f: {  	[tilespmem:$0x2BB0] =	vst v0  }
0x80: {  	[tilespmem:$0x2BC0] =	vst v0  }
0x81: {  	[tilespmem:$0x2BD0] =	vst v0  }
0x82: {  	[tilespmem:$0x2BE0] =	vst v0  }
0x83: {  	[tilespmem:$0x2BF0] =	vst v0  }
0x84: {  	[tilespmem:$0x2C00] =	vst v0  }
0x85: {  	[tilespmem:$0x2C10] =	vst v0  }
0x86: {  	[tilespmem:$0x2C20] =	vst v0  }
0x87: {  	[tilespmem:$0x2C30] =	vst v0  }
0x88: {  	[tilespmem:$0x2C40] =	vst v0  }
0x89: {  	[tilespmem:$0x2C50] =	vst v0  }
0x8a: {  	[tilespmem:$0x2C60] =	vst v0  }
0x8b: {  	[tilespmem:$0x2C70] =	vst v0  }
0x8c: {  	[tilespmem:$0x2C80] =	vst v0  }
0x8d: {  	[tilespmem:$0x2C90] =	vst v0  }
0x8e: {  	[tilespmem:$0x2CA0] =	vst v0  }
0x8f: {  	[tilespmem:$0x2CB0] =	vst v0  }
0x90: {  	[tilespmem:$0x2CC0] =	vst v0  }
0x91: {  	[tilespmem:$0x2CD0] =	vst v0  }
0x92: {  	[tilespmem:$0x2CE0] =	vst v0  }
0x93: {  	[tilespmem:$0x2CF0] =	vst v0  }
0x94: {  	[tilespmem:$0x2D00] =	vst v1  }
0x95: {  	[tilespmem:$0x2D10] =	vst v1  }
0x96: {  	[tilespmem:$0x2D20] =	vst v1  }
0x97: {  	[tilespmem:$0x2D30] =	vst v1  }
0x98: {  	[tilespmem:$0x2D40] =	vst v1  }
0x99: {  	[tilespmem:$0x2D50] =	vst v1  }
0x9a: {  	[tilespmem:$0x2D60] =	vst v1  }
0x9b: {  	[tilespmem:$0x2D70] =	vst v1  }
0x9c: {  	[spmem:s18] =	stream.linear.scatter [tilespmem:s9], [sflag:$0x2], $0x80, $0x38;
	[tilespmem:$0x8280] =	vst v63  }
0x9d: {  	_ =	swait.ge [sflag:s10], $0x80  }
0x9e: {  	[sflag:s10] =	ssyncset.done $0x0  }
0x9f: {  	[sflag:s10] =	ssyncadd.s32 $0xFFFFFF80  }
0xa0: {  	[spmem:s19] =	stream.linear.scatter [tilespmem:s9], [sflag:$0x2], $0x80, $0x38;
	[tilespmem:$0x8280] =	vst v63  }
0xa1: {  	_ =	swait.ge [sflag:s10], $0x80  }
0xa2: {  	[sflag:s10] =	ssyncset.done $0x0  }
0xa3: {  	[sflag:s10] =	ssyncadd.s32 $0xFFFFFF80  }
0xa4: {  	[spmem:s20] =	stream.linear.scatter [tilespmem:s9], [sflag:$0x2], $0x80, $0x38;
	[tilespmem:$0x8280] =	vst v63  }
0xa5: {  	_ =	swait.ge [sflag:s10], $0x80  }
0xa6: {  	[sflag:s10] =	ssyncset.done $0x0  }
0xa7: {  	[sflag:s10] =	ssyncadd.s32 $0xFFFFFF80  }
0xa8: {  	[spmem:s21] =	stream.linear.scatter [tilespmem:s9], [sflag:$0x2], $0x80, $0x38;
	[tilespmem:$0x8280] =	vst v63  }
0xa9: {  	_ =	swait.ge [sflag:s10], $0x80  }
0xaa: {  	[sflag:s10] =	ssyncset.done $0x0  }
0xab: {  	[sflag:s10] =	ssyncadd.s32 $0xFFFFFF80  }
0xac: {  	[spmem:s23] =	stream.linear.scatter [tilespmem:s9], [sflag:$0x2], $0x80, $0x38;
	[tilespmem:$0x8280] =	vst v63  }
0xad: {  	_ =	swait.ge [sflag:s10], $0x80  }
0xae: {  	[sflag:s10] =	ssyncset.done $0x0  }
0xaf: {  	[sflag:s10] =	ssyncadd.s32 $0xFFFFFF80  }
0xb0: {  	[bflag:$0x0] =	sbarrier.arrive $0xFFFF  }
0xb1: {  	[spmem:s2] =	stream.indirect.scatter.add.f32 [tilespmem:s11], [sflag:$0x1], $0x1, s3, s25, $0xb8;
	[tilespmem:$0x8280] =	vst v63  }
0xb2: {  	_ = 	snop  }
0xb3: {  	[spmem:s2] =	stream.indirect.scatter.add.f32 [tilespmem:s11], [sflag:$0x1], $0x1, s25, s25, $0xb8;
	[tilespmem:$0x8280] =	vst v63  }
0xb4: {  	_ = 	snop  }
0xb5: {  	[spmem:s2] =	stream.indirect.scatter.add.f32 [tilespmem:s11], [sflag:$0x1], $0x1, s26, s25, $0xb8;
	[tilespmem:$0x8280] =	vst v63  }
0xb6: {  	_ = 	snop  }
0xb7: {  	[spmem:s2] =	stream.indirect.scatter.add.f32 [tilespmem:s11], [sflag:$0x1], $0x1, s28, s25, $0xb8;
	[tilespmem:$0x8280] =	vst v63  }
0xb8: {  	_ = 	snop  }
0xb9: {  	[spmem:s2] =	stream.indirect.scatter.add.f32 [tilespmem:s11], [sflag:$0x1], $0x1, s29, s25, $0xb8;
	[tilespmem:$0x8280] =	vst v63  }
0xba: {  	_ = 	snop  }
0xbb: {  	[spmem:s2] =	stream.indirect.scatter.add.f32 [tilespmem:s11], [sflag:$0x1], $0x1, s30, s25, $0xb8;
	[tilespmem:$0x8280] =	vst v63  }
0xbc: {  	_ = 	snop  }
0xbd: {  	[spmem:s2] =	stream.indirect.scatter.add.f32 [tilespmem:s11], [sflag:$0x1], $0x1, s31, s25, $0xb8;
	[tilespmem:$0x8280] =	vst v63  }
0xbe: {  	_ = 	snop  }
0xbf: {  	[spmem:s2] =	stream.indirect.scatter.add.f32 [tilespmem:s11], [sflag:$0x1], $0x1, s1, s25, $0xb8;
	[tilespmem:$0x8280] =	vst v63  }
0xc0: {  	_ = 	snop  }
0xc1: {  	[spmem:s2] =	stream.indirect.scatter.add.f32 [tilespmem:s11], [sflag:$0x1], $0x1, s0, s25, $0xb8;
	[tilespmem:$0x8280] =	vst v63  }
0xc2: {  	_ = 	snop  }
0xc3: {  	[spmem:s2] =	stream.indirect.scatter.add.f32 [tilespmem:s11], [sflag:$0x1], $0x1, s4, s25, $0xb8;
	[tilespmem:$0x8280] =	vst v63  }
0xc4: {  	_ = 	snop  }
0xc5: {  	[spmem:s2] =	stream.indirect.scatter.add.f32 [tilespmem:s11], [sflag:$0x1], $0x1, s5, s25, $0xb8;
	[tilespmem:$0x8280] =	vst v63  }
0xc6: {  	_ = 	snop  }
0xc7: {  	[spmem:s2] =	stream.indirect.scatter.add.f32 [tilespmem:s11], [sflag:$0x1], $0x1, s6, s25, $0xb8;
	[tilespmem:$0x8280] =	vst v63  }
0xc8: {  	_ = 	snop  }
0xc9: {  	[spmem:s2] =	stream.indirect.scatter.add.f32 [tilespmem:s11], [sflag:$0x1], $0x1, s7, s25, $0xb8;
	[tilespmem:$0x8280] =	vst v63  }
0xca: {  	_ =	swait.ge [sflag:s8], $0x300  }
0xcb: {  	[sflag:s8] =	ssyncset.done $0x0  }
0xcc: {  	[sflag:s8] =	ssyncadd.s32 $0xFFFFFD00  }
0xcd: {  	_ =	swait.ge [sflag:s8], $0x300  }
0xce: {  	[sflag:s8] =	ssyncset.done $0x0  }
0xcf: {  	[sflag:s8] =	ssyncadd.s32 $0xFFFFFD00  }
0xd0: {  	_ =	swait.ge [sflag:s8], $0x300  }
0xd1: {  	[sflag:s8] =	ssyncset.done $0x0  }
0xd2: {  	[sflag:s8] =	ssyncadd.s32 $0xFFFFFD00  }
0xd3: {  	_ =	swait.ge [sflag:s8], $0x300  }
0xd4: {  	[sflag:s8] =	ssyncset.done $0x0  }
0xd5: {  	[sflag:s8] =	ssyncadd.s32 $0xFFFFFD00  }
0xd6: {  	_ =	swait.ge [sflag:s8], $0x300  }
0xd7: {  	[sflag:s8] =	ssyncset.done $0x0  }
0xd8: {  	[sflag:s8] =	ssyncadd.s32 $0xFFFFFD00  }
0xd9: {  	_ =	swait.ge [sflag:s8], $0x300  }
0xda: {  	[sflag:s8] =	ssyncset.done $0x0  }
0xdb: {  	[sflag:s8] =	ssyncadd.s32 $0xFFFFFD00  }
0xdc: {  	_ =	swait.ge [sflag:s8], $0x300  }
0xdd: {  	[sflag:s8] =	ssyncset.done $0x0  }
0xde: {  	[sflag:s8] =	ssyncadd.s32 $0xFFFFFD00  }
0xdf: {  	_ =	swait.ge [sflag:s8], $0x300  }
0xe0: {  	[sflag:s8] =	ssyncset.done $0x0  }
0xe1: {  	[sflag:s8] =	ssyncadd.s32 $0xFFFFFD00  }
0xe2: {  	_ =	swait.ge [sflag:s8], $0x300  }
0xe3: {  	[sflag:s8] =	ssyncset.done $0x0  }
0xe4: {  	[sflag:s8] =	ssyncadd.s32 $0xFFFFFD00  }
0xe5: {  	_ =	swait.ge [sflag:s8], $0x300  }
0xe6: {  	[sflag:s8] =	ssyncset.done $0x0  }
0xe7: {  	[sflag:s8] =	ssyncadd.s32 $0xFFFFFD00  }
0xe8: {  	_ =	swait.ge [sflag:s8], $0x300  }
0xe9: {  	[sflag:s8] =	ssyncset.done $0x0  }
0xea: {  	[sflag:s8] =	ssyncadd.s32 $0xFFFFFD00  }
0xeb: {  	_ =	swait.ge [sflag:s8], $0x300  }
0xec: {  	[sflag:s8] =	ssyncset.done $0x0  }
0xed: {  	[sflag:s8] =	ssyncadd.s32 $0xFFFFFD00  }
0xee: {  	_ =	swait.ge [sflag:s8], $0x300  }
0xef: {  	[sflag:s8] =	ssyncset.done $0x0  }
0xf0: {  	s17 =	simm.s32 @!p0 $0x2A00;
	s16 =	simm.s32 @!p0 $0x80;
	[sflag:s8] =	ssyncadd.s32 $0xFFFFFD00  }
0xf1: {  	[spmem:s2] =	stream.indirect.scatter.add.f32 @!p0 [tilespmem:s17], [sflag:$0x2], $0x1, s15, s16, $0xb8;
	[tilespmem:$0x8280] =	vst v63  }
0xf2: {  	_ =	swait.ge @!p0 [sflag:s14], $0x80  }
0xf3: {  	[sflag:s14] =	ssyncset.done @!p0 $0x0  }
0xf4: {  	[sflag:s14] =	ssyncadd.s32 @!p0 $0xFFFFFF80  }
0xf5: {  	v2 =	vmov s3;
	[bflag:$0x0] =	sbarrier.arrive $0xFFFF  }
0xf6: {  	[tilespmem:s12], [sflag:$0x2] =	stream.linear.gather [spmem:s18], $0x280, $0x38;
	[tilespmem:$0x8280] =	vst v63  }
0xf7: {  	_ =	swait.ge [sflag:s10], $0x280  }
0xf8: {  	[sflag:s10] =	ssyncset.done $0x0  }
0xf9: {  	[sflag:s10] =	ssyncadd.s32 $0xFFFFFD80  }
0xfa: {  	v2 =	vld.idx.msk [tilespmem:v2+s12+$0x0], $0xffff  }
0xfb: {  	s16 =	simm.s32 $0x1  }
0xfc: {  	v3 =	vmov s16;
	_ =	sdelay $0x1  }
0xfd: {  	s14 =	simm.s32 $0x3010  }
0xfe: {  	[tilespmem:s14+$0xFFFFFFF0] =	vst v2  }
0xff: {  	[tilespmem:s14+$0x0] =	vst v2  }
0x100: {  	v2 =	vld.idx.msk [tilespmem:v3+s12+$0x0], $0xffff  }
0x101: {  	s17 =	simm.s32 $0x2  }
0x102: {  	s15 =	simm.s32 $0x3;
	v3 =	vmov s17  }
.LBB2_2:
0x103: {  	p1 =	sne.s32 s15, $0x27F  }
0x104: {  	s14 =	sadd.s32 $0x20, s14  }
0x105: {  	[tilespmem:s14+$0xFFFFFFF0] =	vst v2  }
.Ltmp0:
0x106: {  	[tilespmem:s14+$0x0] =	vst v2;
	(pc) =	sbr.rel @p1 .LBB2_2-.Ltmp0, $2  }
0x107: {  	v2 =	vld.idx.msk [tilespmem:v3+s12+$0x0], $0xffff;
	_ =	sdelay $0x2  }
0x108: {  	v3 =	vmov s15;
	s15 =	sadd.s32 $0x1, s15  }
0x109: {  	_ = 	snop  }
0x10a: {  	s14 =	sadd.s32 $0x20, s14  }
0x10b: {  	[tilespmem:s14+$0xFFFFFFF0] =	vst v2  }
0x10c: {  	[tilespmem:s14+$0x0] =	vst v2  }
0x10d: {  	v2 =	vld.idx.msk [tilespmem:v3+s12+$0x0], $0xffff;
	_ =	sdelay $0x3  }
0x10e: {  	s13 =	sadd.s32 $0x1, s13;
	s14 =	sadd.s32 $0x20, s14  }
0x10f: {  	p1 =	sne.s32 s13, s24;
	[tilespmem:s14+$0xFFFFFFF0] =	vst v2  }
.Ltmp1:
0x110: {  	s17 =	simm.s32 $0x3000;
	[tilespmem:s14+$0x0] =	vst v2;
	(pc) =	sbr.rel @p1 .LBB2_1-.Ltmp1, $4  }
0x111: {  	[hbm4b:s22+s3] =	stream.linear.scatter [tilespmem:s17], [sflag:$0x2], $0x5000, $0x38;
	[tilespmem:$0x8280] =	vst v63  }
0x112: {  	_ =	swait.ge [sflag:s10], $0x5000  }
0x113: {  	[sflag:s10] =	ssyncset.done $0x0  }
0x114: {  	[sflag:s10] =	ssyncadd.s32 $0xFFFFB000  }
0x115: {  	_ =	sfence.sel $0x180000  }
0x116: {  	[bflag:$0x0] =	sbarrier.arrive $0xFFFF  }
0x117: {  	_ =	strace $0x90000047  }
0x118: {  	s0 =	stileid.u32;
	[bflag:$0x2] =	sbarrier.arrive $0xFFFF  }
0x119: {  	p0 =	sne.s32 s0, $0x0;
	s0 =	rddreg [dreg:$0x3]  }
0x11a: {  	s0 =	sadd.s32 @!p0 $0x100000, s0  }
0x11b: {  	[sflag:s0] =	ssyncadd.tile.s32 @!p0 $0x1;
	_ =	shalt  }
.Lfunc_end2:
_tile_overlayer_lowered:
.L_overlay_start_2:
0x11c: {  	(tag) =	ssettag $0x2  }
0x11d: {  	s0 =	rddreg [dreg:$0x0];
	s2 =	stileid.u32  }
0x11e: {  	s1 =	rddreg [dreg:$0x1];
	p0 =	sne.s32 s2, $0x0  }
0x11f: {  	s3 =	rddreg [dreg:$0x2];
	[bflag:$0x3] =	sbarrier.arrive $0xFFFF;
	s2 =	simm.s32 @!p0 $0x1C02  }
0x120: {  	[timem:s3], [sflag:s2] =	dma.local @!p0 [hbm:s0], s1  }
0x121: {  	s0 =	simm.s32 @!p0 $0x2  }
0x122: {  	_ =	swait.ge @!p0 [sflag:s0], s1  }
0x123: {  	s1 =	ssub.s32 @!p0 $0x0, s1;
	[sflag:s0] =	ssyncset.done @!p0 $0x0  }
0x124: {  	[sflag:s0] =	ssyncadd.s32 @!p0 s1  }
0x125: {  	[bflag:$0x3] =	sbarrier.arrive $0xFFFF  }
0x126: {  	_ =	shalt  }

</sc_bundles>
